<compile_context>
chip_gen: v7x
topology: tpu7x:2x2x1
jax: 0.10.2.dev20260603
libtpu: 0.0.44.dev20260713+nightly
codegen_flags: <defaults>
</compile_context>

<pallas_src>
import functools

import jax
import jax.numpy as jnp
from jax import lax
from jax.experimental import pallas as pl
from jax.experimental.pallas import tpu as pltpu
from jax.experimental.pallas import tpu_sc as plsc

N = 10000
E = 320000
D = 128
DH = D // 2
NC = 2
NS = 16
EPT = E // NS
K = 80
NCHUNK = EPT // K
RPT = 624
ZR = 208
TAIL = N - NS * RPT
LANES = 16

_mesh = plsc.VectorSubcoreMesh(
    core_axis_name="c", subcore_axis_name="s", num_cores=NC, num_subcores=NS
)


@functools.partial(
    pl.kernel,
    out_type=jax.ShapeDtypeStruct((NC, N, DH), jnp.float32),
    mesh=_mesh,
    scratch_types=[
        pltpu.VMEM((NCHUNK, K), jnp.int32),
        pltpu.VMEM((NCHUNK, K), jnp.int32),
        pltpu.VMEM((NCHUNK, K), jnp.float32),
        pltpu.VMEM((K, DH), jnp.float32),
        pltpu.VMEM((ZR, DH), jnp.float32),
        pltpu.VMEM_SHARED((N, DH), jnp.float32),
    ],
    compiler_params=pltpu.CompilerParams(use_tc_tiling_on_sc=False),
)
def _spmm_sc(xs_hbm, dst_hbm, src_hbm, val_hbm, out_hbm,
             dst_v, src_v, val_v, rows_v, zbuf, acc):
    cid = lax.axis_index("c")
    sid = lax.axis_index("s")

    zero16 = jnp.zeros((LANES,), jnp.float32)

    def zero_row(i, carry):
        for c in range(DH // LANES):
            zbuf[i, pl.ds(c * LANES, LANES)] = zero16
        return carry

    lax.fori_loop(0, ZR, zero_row, 0)
    for t in range(RPT // ZR):
        pltpu.sync_copy(zbuf, acc.at[pl.ds(sid * RPT + t * ZR, ZR)])

    @pl.when(sid == NS - 1)
    def _zero_tail():
        pltpu.sync_copy(zbuf.at[pl.ds(0, TAIL)], acc.at[pl.ds(NS * RPT, TAIL)])

    plsc.subcore_barrier()

    pltpu.sync_copy(dst_hbm.at[sid], dst_v)
    pltpu.sync_copy(src_hbm.at[sid], src_v)
    pltpu.sync_copy(val_hbm.at[sid], val_v)

    def chunk(j, carry):
        pltpu.sync_copy(xs_hbm.at[cid].at[src_v.at[j]], rows_v)

        def scale_group(g, c2):
            v16 = val_v[j, pl.ds(g * LANES, LANES)]
            for jj in range(LANES):
                bv = v16.at[jnp.full((LANES,), jj, jnp.int32)].get(
                    mode="promise_in_bounds")
                e = g * LANES + jj
                for c in range(DH // LANES):
                    sl = pl.ds(c * LANES, LANES)
                    rows_v[e, sl] = rows_v[e, sl] * bv
            return c2

        lax.fori_loop(0, K // LANES, scale_group, 0)
        pltpu.sync_copy(rows_v, acc.at[dst_v.at[j]], add=True)
        return carry

    lax.fori_loop(0, NCHUNK, chunk, 0)

    plsc.subcore_barrier()
    for t in range(RPT // ZR):
        base = sid * RPT + t * ZR
        pltpu.sync_copy(acc.at[pl.ds(base, ZR)],
                        out_hbm.at[cid, pl.ds(base, ZR)])

    @pl.when(sid == NS - 1)
    def _write_tail():
        pltpu.sync_copy(acc.at[pl.ds(NS * RPT, TAIL)],
                        out_hbm.at[cid, pl.ds(NS * RPT, TAIL)])


_BR = 1000


def _combine_body(x_ref, p_ref, o_ref):
    f = jnp.concatenate([p_ref[0], p_ref[1]], axis=-1)
    o_ref[...] = x_ref[...] + jnp.maximum(f, 0.0)


def kernel(x, edge_index, edge_values):
    ei = edge_index.astype(jnp.int32)
    dst3 = ei[0].reshape(NS, NCHUNK, K)
    src3 = ei[1].reshape(NS, NCHUNK, K)
    val3 = edge_values.reshape(NS, NCHUNK, K)
    xs = jnp.stack([x[:, :DH], x[:, DH:]])
    partial = _spmm_sc(xs, dst3, src3, val3)
    return pl.pallas_call(
        _combine_body,
        out_shape=jax.ShapeDtypeStruct((N, D), jnp.float32),
        grid=(N // _BR,),
        in_specs=[
            pl.BlockSpec((_BR, D), lambda i: (i, 0)),
            pl.BlockSpec((NC, _BR, DH), lambda i: (0, i, 0)),
        ],
        out_specs=pl.BlockSpec((_BR, D), lambda i: (i, 0)),
    )(x, partial)

# --- scband reference (transcript-rebuilt; emitter-appended) ---
"""Pipeline reference for scband-res-block-16071767622282 (READ-ONLY COPY).

The authoritative reference and input builder live on the scoring server;
editing this copy changes nothing except your own understanding.
"""

import jax, jax.numpy as jnp
import numpy as np

N_NODES = 10000
N_EDGES = 320000
D_FEAT = 128


def setup_inputs(seed: int = 0) -> dict:
    key = jax.random.key(seed)
    k1, k2, k3 = jax.random.split(key, 3)
    x = jax.random.normal(k1, (N_NODES, D_FEAT), dtype=jnp.float32)
    edge_index = jax.random.randint(k2, (2, N_EDGES), 0, N_NODES)
    edge_values = jax.random.uniform(k3, (N_EDGES,), dtype=jnp.float32)
    return {"x": x, "edge_index": edge_index, "edge_values": edge_values}


def reference(x, edge_index, edge_values):
    # ResBlock.forward with normalize=False, time_varying=False, Euler=False,
    # dropout=0 (identity in eval):
    #   shortcut = x
    #   f = torch.sparse.mm(A, x)   # A is COO: rows=edge_index[0], cols=edge_index[1], vals=edge_values
    #   f = relu(f)
    #   return shortcut + f * time_step   # time_step = 1
    dst = edge_index[0]
    src = edge_index[1]
    gathered = jnp.take(x, src, axis=0) * edge_values[:, None]
    f = jax.ops.segment_sum(gathered, dst, num_segments=N_NODES)
    f = jax.nn.relu(f)
    return x + f * 1.0

if __name__ == "__main__":
    import jax
    _d = setup_inputs()
    print(jax.jit(kernel)(*tuple(_d.values())))

</pallas_src>

<mosaic_0001>
#map = affine_map<(d0, d1) -> (0, 0, 0)>
module attributes {stable_mosaic.version = 14 : i64} {
  func.func @_spmm_sc(%arg0: i32, %arg1: i32, %arg2: memref<2x10000x64xf32, #tpu.memory_space<hbm>>, %arg3: memref<16x250x80xi32, #tpu.memory_space<hbm>>, %arg4: memref<16x250x80xi32, #tpu.memory_space<hbm>>, %arg5: memref<16x250x80xf32, #tpu.memory_space<hbm>>, %arg6: memref<2x10000x64xf32, #tpu.memory_space<hbm>>, %arg7: memref<250x80xi32, #tpu.memory_space<vmem>>, %arg8: memref<250x80xi32, #tpu.memory_space<vmem>>, %arg9: memref<250x80xf32, #tpu.memory_space<vmem>>, %arg10: memref<80x64xf32, #tpu.memory_space<vmem>>, %arg11: memref<208x64xf32, #tpu.memory_space<vmem>>, %arg12: memref<10000x64xf32, #tpu.memory_space<vmem_shared>>) attributes {dimension_semantics = [#tpu.dimension_semantics<core_parallel>, #tpu.dimension_semantics<subcore_parallel>], iteration_bounds = array<i64: 2, 16>, scalar_prefetch = 0 : i64, scratch_operands = 6 : i64, tpu.core_type = #tpu.core_type<sc_vector_subcore>, window_params = [{transform_indices = #map}, {transform_indices = #map}, {transform_indices = #map}, {transform_indices = #map}, {transform_indices = #map}]} {
    %broadcast_in_dim3A = arith.constant 0.000000e+00 : f32
    %broadcast_in_dim3A_0 = vector.broadcast %broadcast_in_dim3A : f32 to vector<16xf32>
    %scan3A = arith.constant 0 : i32
    %scan3A_1 = arith.constant 0 : i32
    %scan3A_2 = arith.constant 208 : i32
    %scan3A_3 = arith.addi %scan3A_1, %scan3A_2 : i32
    %scan3A_4 = arith.constant 1 : i32
    scf.for %scan3A_42 = %scan3A_1 to %scan3A_3 step %scan3A_4  : i32 {
      %swap3A = arith.index_cast %scan3A_42 : i32 to index
      %swap3A_43 = arith.constant 0 : index
      %swap3A_44 = tpu.vector_load %arg11[%swap3A, %swap3A_43] {strides = array<i32>} : memref<208x64xf32, #tpu.memory_space<vmem>>, vector<1x16xf32>,
      %swap3A_45 = vector.shape_cast %swap3A_44 : vector<1x16xf32> to vector<16xf32>
      %swap3A_46 = vector.shape_cast %broadcast_in_dim3A_0 : vector<16xf32> to vector<1x16xf32>
      tpu.vector_store %arg11[%swap3A, %swap3A_43], %swap3A_46 {strides = array<i32>} : memref<208x64xf32, #tpu.memory_space<vmem>>, vector<1x16xf32>,
      %swap3A_47 = arith.index_cast %scan3A_42 : i32 to index
      %swap3A_48 = arith.constant 16 : index
      %swap3A_49 = tpu.vector_load %arg11[%swap3A_47, %swap3A_48] {strides = array<i32>} : memref<208x64xf32, #tpu.memory_space<vmem>>, vector<1x16xf32>,
      %swap3A_50 = vector.shape_cast %swap3A_49 : vector<1x16xf32> to vector<16xf32>
      %swap3A_51 = vector.shape_cast %broadcast_in_dim3A_0 : vector<16xf32> to vector<1x16xf32>
      tpu.vector_store %arg11[%swap3A_47, %swap3A_48], %swap3A_51 {strides = array<i32>} : memref<208x64xf32, #tpu.memory_space<vmem>>, vector<1x16xf32>,
      %swap3A_52 = arith.index_cast %scan3A_42 : i32 to index
      %swap3A_53 = arith.constant 32 : index
      %swap3A_54 = tpu.vector_load %arg11[%swap3A_52, %swap3A_53] {strides = array<i32>} : memref<208x64xf32, #tpu.memory_space<vmem>>, vector<1x16xf32>,
      %swap3A_55 = vector.shape_cast %swap3A_54 : vector<1x16xf32> to vector<16xf32>
      %swap3A_56 = vector.shape_cast %broadcast_in_dim3A_0 : vector<16xf32> to vector<1x16xf32>
      tpu.vector_store %arg11[%swap3A_52, %swap3A_53], %swap3A_56 {strides = array<i32>} : memref<208x64xf32, #tpu.memory_space<vmem>>, vector<1x16xf32>,
      %swap3A_57 = arith.index_cast %scan3A_42 : i32 to index
      %swap3A_58 = arith.constant 48 : index
      %swap3A_59 = tpu.vector_load %arg11[%swap3A_57, %swap3A_58] {strides = array<i32>} : memref<208x64xf32, #tpu.memory_space<vmem>>, vector<1x16xf32>,
      %swap3A_60 = vector.shape_cast %swap3A_59 : vector<1x16xf32> to vector<16xf32>
      %swap3A_61 = vector.shape_cast %broadcast_in_dim3A_0 : vector<16xf32> to vector<1x16xf32>
      tpu.vector_store %arg11[%swap3A_57, %swap3A_58], %swap3A_61 {strides = array<i32>} : memref<208x64xf32, #tpu.memory_space<vmem>>, vector<1x16xf32>,
    }
    %scan3A_5 = arith.constant 208 : i32
    %mul3A = arith.constant 624 : i32
    %mul3A_6 = arith.muli %arg1, %mul3A : i32
    %add3A = arith.constant 0 : i32
    %add3A_7 = arith.addi %mul3A_6, %add3A : i32
    "tpu.region"() ({
      %run_scoped3A = tpu.sem_alloc : memref<!tpu.dma_semaphore, #tpu.memory_space<semaphore_mem>>
      %dma_start3A = arith.constant 0 : i32
      %dma_start3A_42 = tpu.memref_slice %arg12[%add3A_7, %dma_start3A] : memref<10000x64xf32, #tpu.memory_space<vmem_shared>> -> memref<208x64xf32, #tpu.memory_space<vmem_shared>>
      %dma_start3A_43 = arith.constant 0 : i32
      %dma_start3A_44 = tpu.memref_slice %arg12[%add3A_7, %dma_start3A_43] : memref<10000x64xf32, #tpu.memory_space<vmem_shared>> -> memref<208x64xf32, #tpu.memory_space<vmem_shared>>
      tpu.enqueue_dma source(%arg11 : memref<208x64xf32, #tpu.memory_space<vmem>>) target(%dma_start3A_44 : memref<208x64xf32, #tpu.memory_space<vmem_shared>>) target_semaphore(%run_scoped3A : memref<!tpu.dma_semaphore, #tpu.memory_space<semaphore_mem>>)
      %dma_wait3A = arith.constant 0 : i32
      %dma_wait3A_45 = tpu.memref_slice %arg12[%add3A_7, %dma_wait3A] : memref<10000x64xf32, #tpu.memory_space<vmem_shared>> -> memref<208x64xf32, #tpu.memory_space<vmem_shared>>
      %dma_wait3A_46 = arith.constant 0 : i32
      %dma_wait3A_47 = tpu.memref_slice %arg12[%add3A_7, %dma_wait3A_46] : memref<10000x64xf32, #tpu.memory_space<vmem_shared>> -> memref<208x64xf32, #tpu.memory_space<vmem_shared>>
      tpu.wait_dma2 semaphore(%run_scoped3A : memref<!tpu.dma_semaphore, #tpu.memory_space<semaphore_mem>>) src(%arg11 : memref<208x64xf32, #tpu.memory_space<vmem>>) dst(%dma_wait3A_47 : memref<208x64xf32, #tpu.memory_space<vmem_shared>>)
      tpu.yield
    }) : () -> ()
    %mul3A_8 = arith.constant 624 : i32
    %mul3A_9 = arith.muli %arg1, %mul3A_8 : i32
    %add3A_10 = arith.constant 208 : i32
    %add3A_11 = arith.addi %mul3A_9, %add3A_10 : i32
    "tpu.region"() ({
      %run_scoped3A = tpu.sem_alloc : memref<!tpu.dma_semaphore, #tpu.memory_space<semaphore_mem>>
      %dma_start3A = arith.constant 0 : i32
      %dma_start3A_42 = tpu.memref_slice %arg12[%add3A_11, %dma_start3A] : memref<10000x64xf32, #tpu.memory_space<vmem_shared>> -> memref<208x64xf32, #tpu.memory_space<vmem_shared>>
      %dma_start3A_43 = arith.constant 0 : i32
      %dma_start3A_44 = tpu.memref_slice %arg12[%add3A_11, %dma_start3A_43] : memref<10000x64xf32, #tpu.memory_space<vmem_shared>> -> memref<208x64xf32, #tpu.memory_space<vmem_shared>>
      tpu.enqueue_dma source(%arg11 : memref<208x64xf32, #tpu.memory_space<vmem>>) target(%dma_start3A_44 : memref<208x64xf32, #tpu.memory_space<vmem_shared>>) target_semaphore(%run_scoped3A : memref<!tpu.dma_semaphore, #tpu.memory_space<semaphore_mem>>)
      %dma_wait3A = arith.constant 0 : i32
      %dma_wait3A_45 = tpu.memref_slice %arg12[%add3A_11, %dma_wait3A] : memref<10000x64xf32, #tpu.memory_space<vmem_shared>> -> memref<208x64xf32, #tpu.memory_space<vmem_shared>>
      %dma_wait3A_46 = arith.constant 0 : i32
      %dma_wait3A_47 = tpu.memref_slice %arg12[%add3A_11, %dma_wait3A_46] : memref<10000x64xf32, #tpu.memory_space<vmem_shared>> -> memref<208x64xf32, #tpu.memory_space<vmem_shared>>
      tpu.wait_dma2 semaphore(%run_scoped3A : memref<!tpu.dma_semaphore, #tpu.memory_space<semaphore_mem>>) src(%arg11 : memref<208x64xf32, #tpu.memory_space<vmem>>) dst(%dma_wait3A_47 : memref<208x64xf32, #tpu.memory_space<vmem_shared>>)
      tpu.yield
    }) : () -> ()
    %mul3A_12 = arith.constant 624 : i32
    %mul3A_13 = arith.muli %arg1, %mul3A_12 : i32
    %add3A_14 = arith.constant 416 : i32
    %add3A_15 = arith.addi %mul3A_13, %add3A_14 : i32
    "tpu.region"() ({
      %run_scoped3A = tpu.sem_alloc : memref<!tpu.dma_semaphore, #tpu.memory_space<semaphore_mem>>
      %dma_start3A = arith.constant 0 : i32
      %dma_start3A_42 = tpu.memref_slice %arg12[%add3A_15, %dma_start3A] : memref<10000x64xf32, #tpu.memory_space<vmem_shared>> -> memref<208x64xf32, #tpu.memory_space<vmem_shared>>
      %dma_start3A_43 = arith.constant 0 : i32
      %dma_start3A_44 = tpu.memref_slice %arg12[%add3A_15, %dma_start3A_43] : memref<10000x64xf32, #tpu.memory_space<vmem_shared>> -> memref<208x64xf32, #tpu.memory_space<vmem_shared>>
      tpu.enqueue_dma source(%arg11 : memref<208x64xf32, #tpu.memory_space<vmem>>) target(%dma_start3A_44 : memref<208x64xf32, #tpu.memory_space<vmem_shared>>) target_semaphore(%run_scoped3A : memref<!tpu.dma_semaphore, #tpu.memory_space<semaphore_mem>>)
      %dma_wait3A = arith.constant 0 : i32
      %dma_wait3A_45 = tpu.memref_slice %arg12[%add3A_15, %dma_wait3A] : memref<10000x64xf32, #tpu.memory_space<vmem_shared>> -> memref<208x64xf32, #tpu.memory_space<vmem_shared>>
      %dma_wait3A_46 = arith.constant 0 : i32
      %dma_wait3A_47 = tpu.memref_slice %arg12[%add3A_15, %dma_wait3A_46] : memref<10000x64xf32, #tpu.memory_space<vmem_shared>> -> memref<208x64xf32, #tpu.memory_space<vmem_shared>>
      tpu.wait_dma2 semaphore(%run_scoped3A : memref<!tpu.dma_semaphore, #tpu.memory_space<semaphore_mem>>) src(%arg11 : memref<208x64xf32, #tpu.memory_space<vmem>>) dst(%dma_wait3A_47 : memref<208x64xf32, #tpu.memory_space<vmem_shared>>)
      tpu.yield
    }) : () -> ()
    %eq3A = arith.constant 15 : i32
    %eq3A_16 = arith.cmpi eq, %arg1, %eq3A : i32
    %convert_element_type3A = arith.extui %eq3A_16 : i1 to i32
    %cond3A = arith.constant 0 : i32
    %cond3A_17 = arith.cmpi ne, %convert_element_type3A, %cond3A : i32
    scf.if %cond3A_17 {
      "tpu.region"() ({
        %run_scoped3A = tpu.sem_alloc : memref<!tpu.dma_semaphore, #tpu.memory_space<semaphore_mem>>
        %dma_start3A = arith.constant 0 : i32
        %dma_start3A_42 = arith.constant 0 : i32
        %dma_start3A_43 = tpu.memref_slice %arg11[%dma_start3A, %dma_start3A_42] : memref<208x64xf32, #tpu.memory_space<vmem>> -> memref<16x64xf32, #tpu.memory_space<vmem>>
        %dma_start3A_44 = arith.constant 9984 : i32
        %dma_start3A_45 = arith.constant 0 : i32
        %dma_start3A_46 = tpu.memref_slice %arg12[%dma_start3A_44, %dma_start3A_45] : memref<10000x64xf32, #tpu.memory_space<vmem_shared>> -> memref<16x64xf32, #tpu.memory_space<vmem_shared>>
        %dma_start3A_47 = arith.constant 9984 : i32
        %dma_start3A_48 = arith.constant 0 : i32
        %dma_start3A_49 = tpu.memref_slice %arg12[%dma_start3A_47, %dma_start3A_48] : memref<10000x64xf32, #tpu.memory_space<vmem_shared>> -> memref<16x64xf32, #tpu.memory_space<vmem_shared>>
        %dma_start3A_50 = arith.constant 0 : i32
        %dma_start3A_51 = arith.constant 0 : i32
        %dma_start3A_52 = tpu.memref_slice %arg11[%dma_start3A_50, %dma_start3A_51] : memref<208x64xf32, #tpu.memory_space<vmem>> -> memref<16x64xf32, #tpu.memory_space<vmem>>
        tpu.enqueue_dma source(%dma_start3A_52 : memref<16x64xf32, #tpu.memory_space<vmem>>) target(%dma_start3A_49 : memref<16x64xf32, #tpu.memory_space<vmem_shared>>) target_semaphore(%run_scoped3A : memref<!tpu.dma_semaphore, #tpu.memory_space<semaphore_mem>>)
        %dma_wait3A = arith.constant 0 : i32
        %dma_wait3A_53 = arith.constant 0 : i32
        %dma_wait3A_54 = tpu.memref_slice %arg11[%dma_wait3A, %dma_wait3A_53] : memref<208x64xf32, #tpu.memory_space<vmem>> -> memref<16x64xf32, #tpu.memory_space<vmem>>
        %dma_wait3A_55 = arith.constant 9984 : i32
        %dma_wait3A_56 = arith.constant 0 : i32
        %dma_wait3A_57 = tpu.memref_slice %arg12[%dma_wait3A_55, %dma_wait3A_56] : memref<10000x64xf32, #tpu.memory_space<vmem_shared>> -> memref<16x64xf32, #tpu.memory_space<vmem_shared>>
        %dma_wait3A_58 = arith.constant 9984 : i32
        %dma_wait3A_59 = arith.constant 0 : i32
        %dma_wait3A_60 = tpu.memref_slice %arg12[%dma_wait3A_58, %dma_wait3A_59] : memref<10000x64xf32, #tpu.memory_space<vmem_shared>> -> memref<16x64xf32, #tpu.memory_space<vmem_shared>>
        %dma_wait3A_61 = arith.constant 0 : i32
        %dma_wait3A_62 = arith.constant 0 : i32
        %dma_wait3A_63 = tpu.memref_slice %arg11[%dma_wait3A_61, %dma_wait3A_62] : memref<208x64xf32, #tpu.memory_space<vmem>> -> memref<16x64xf32, #tpu.memory_space<vmem>>
        tpu.wait_dma2 semaphore(%run_scoped3A : memref<!tpu.dma_semaphore, #tpu.memory_space<semaphore_mem>>) src(%dma_wait3A_63 : memref<16x64xf32, #tpu.memory_space<vmem>>) dst(%dma_wait3A_60 : memref<16x64xf32, #tpu.memory_space<vmem_shared>>)
        tpu.yield
      }) : () -> ()
    } else {
    }
    %barrier3A = arith.constant 0 : index
    tpu.barrier barrier_id(%barrier3A)
    "tpu.region"() ({
      %run_scoped3A = tpu.sem_alloc : memref<!tpu.dma_semaphore, #tpu.memory_space<semaphore_mem>>
      %dma_start3A = arith.constant 0 : i32
      %dma_start3A_42 = arith.constant 0 : i32
      %dma_start3A_43 = tpu.memref_slice %arg3[%arg1, %dma_start3A, %dma_start3A_42] : memref<16x250x80xi32, #tpu.memory_space<hbm>> -> memref<1x250x80xi32, #tpu.memory_space<hbm>>
      %dma_start3A_44 = tpu.memref_squeeze %dma_start3A_43 : memref<1x250x80xi32, #tpu.memory_space<hbm>> -> memref<250x80xi32, #tpu.memory_space<hbm>>
      %dma_start3A_45 = arith.constant 0 : i32
      %dma_start3A_46 = arith.constant 0 : i32
      %dma_start3A_47 = tpu.memref_slice %arg3[%arg1, %dma_start3A_45, %dma_start3A_46] : memref<16x250x80xi32, #tpu.memory_space<hbm>> -> memref<1x250x80xi32, #tpu.memory_space<hbm>>
      %dma_start3A_48 = tpu.memref_squeeze %dma_start3A_47 : memref<1x250x80xi32, #tpu.memory_space<hbm>> -> memref<250x80xi32, #tpu.memory_space<hbm>>
      tpu.enqueue_dma source(%dma_start3A_48 : memref<250x80xi32, #tpu.memory_space<hbm>>) target(%arg7 : memref<250x80xi32, #tpu.memory_space<vmem>>) target_semaphore(%run_scoped3A : memref<!tpu.dma_semaphore, #tpu.memory_space<semaphore_mem>>)
      %dma_wait3A = arith.constant 0 : i32
      %dma_wait3A_49 = arith.constant 0 : i32
      %dma_wait3A_50 = tpu.memref_slice %arg3[%arg1, %dma_wait3A, %dma_wait3A_49] : memref<16x250x80xi32, #tpu.memory_space<hbm>> -> memref<1x250x80xi32, #tpu.memory_space<hbm>>
      %dma_wait3A_51 = tpu.memref_squeeze %dma_wait3A_50 : memref<1x250x80xi32, #tpu.memory_space<hbm>> -> memref<250x80xi32, #tpu.memory_space<hbm>>
      %dma_wait3A_52 = arith.constant 0 : i32
      %dma_wait3A_53 = arith.constant 0 : i32
      %dma_wait3A_54 = tpu.memref_slice %arg3[%arg1, %dma_wait3A_52, %dma_wait3A_53] : memref<16x250x80xi32, #tpu.memory_space<hbm>> -> memref<1x250x80xi32, #tpu.memory_space<hbm>>
      %dma_wait3A_55 = tpu.memref_squeeze %dma_wait3A_54 : memref<1x250x80xi32, #tpu.memory_space<hbm>> -> memref<250x80xi32, #tpu.memory_space<hbm>>
      tpu.wait_dma2 semaphore(%run_scoped3A : memref<!tpu.dma_semaphore, #tpu.memory_space<semaphore_mem>>) src(%dma_wait3A_55 : memref<250x80xi32, #tpu.memory_space<hbm>>) dst(%arg7 : memref<250x80xi32, #tpu.memory_space<vmem>>)
      tpu.yield
    }) : () -> ()
    "tpu.region"() ({
      %run_scoped3A = tpu.sem_alloc : memref<!tpu.dma_semaphore, #tpu.memory_space<semaphore_mem>>
      %dma_start3A = arith.constant 0 : i32
      %dma_start3A_42 = arith.constant 0 : i32
      %dma_start3A_43 = tpu.memref_slice %arg4[%arg1, %dma_start3A, %dma_start3A_42] : memref<16x250x80xi32, #tpu.memory_space<hbm>> -> memref<1x250x80xi32, #tpu.memory_space<hbm>>
      %dma_start3A_44 = tpu.memref_squeeze %dma_start3A_43 : memref<1x250x80xi32, #tpu.memory_space<hbm>> -> memref<250x80xi32, #tpu.memory_space<hbm>>
      %dma_start3A_45 = arith.constant 0 : i32
      %dma_start3A_46 = arith.constant 0 : i32
      %dma_start3A_47 = tpu.memref_slice %arg4[%arg1, %dma_start3A_45, %dma_start3A_46] : memref<16x250x80xi32, #tpu.memory_space<hbm>> -> memref<1x250x80xi32, #tpu.memory_space<hbm>>
      %dma_start3A_48 = tpu.memref_squeeze %dma_start3A_47 : memref<1x250x80xi32, #tpu.memory_space<hbm>> -> memref<250x80xi32, #tpu.memory_space<hbm>>
      tpu.enqueue_dma source(%dma_start3A_48 : memref<250x80xi32, #tpu.memory_space<hbm>>) target(%arg8 : memref<250x80xi32, #tpu.memory_space<vmem>>) target_semaphore(%run_scoped3A : memref<!tpu.dma_semaphore, #tpu.memory_space<semaphore_mem>>)
      %dma_wait3A = arith.constant 0 : i32
      %dma_wait3A_49 = arith.constant 0 : i32
      %dma_wait3A_50 = tpu.memref_slice %arg4[%arg1, %dma_wait3A, %dma_wait3A_49] : memref<16x250x80xi32, #tpu.memory_space<hbm>> -> memref<1x250x80xi32, #tpu.memory_space<hbm>>
      %dma_wait3A_51 = tpu.memref_squeeze %dma_wait3A_50 : memref<1x250x80xi32, #tpu.memory_space<hbm>> -> memref<250x80xi32, #tpu.memory_space<hbm>>
      %dma_wait3A_52 = arith.constant 0 : i32
      %dma_wait3A_53 = arith.constant 0 : i32
      %dma_wait3A_54 = tpu.memref_slice %arg4[%arg1, %dma_wait3A_52, %dma_wait3A_53] : memref<16x250x80xi32, #tpu.memory_space<hbm>> -> memref<1x250x80xi32, #tpu.memory_space<hbm>>
      %dma_wait3A_55 = tpu.memref_squeeze %dma_wait3A_54 : memref<1x250x80xi32, #tpu.memory_space<hbm>> -> memref<250x80xi32, #tpu.memory_space<hbm>>
      tpu.wait_dma2 semaphore(%run_scoped3A : memref<!tpu.dma_semaphore, #tpu.memory_space<semaphore_mem>>) src(%dma_wait3A_55 : memref<250x80xi32, #tpu.memory_space<hbm>>) dst(%arg8 : memref<250x80xi32, #tpu.memory_space<vmem>>)
      tpu.yield
    }) : () -> ()
    "tpu.region"() ({
      %run_scoped3A = tpu.sem_alloc : memref<!tpu.dma_semaphore, #tpu.memory_space<semaphore_mem>>
      %dma_start3A = arith.constant 0 : i32
      %dma_start3A_42 = arith.constant 0 : i32
      %dma_start3A_43 = tpu.memref_slice %arg5[%arg1, %dma_start3A, %dma_start3A_42] : memref<16x250x80xf32, #tpu.memory_space<hbm>> -> memref<1x250x80xf32, #tpu.memory_space<hbm>>
      %dma_start3A_44 = tpu.memref_squeeze %dma_start3A_43 : memref<1x250x80xf32, #tpu.memory_space<hbm>> -> memref<250x80xf32, #tpu.memory_space<hbm>>
      %dma_start3A_45 = arith.constant 0 : i32
      %dma_start3A_46 = arith.constant 0 : i32
      %dma_start3A_47 = tpu.memref_slice %arg5[%arg1, %dma_start3A_45, %dma_start3A_46] : memref<16x250x80xf32, #tpu.memory_space<hbm>> -> memref<1x250x80xf32, #tpu.memory_space<hbm>>
      %dma_start3A_48 = tpu.memref_squeeze %dma_start3A_47 : memref<1x250x80xf32, #tpu.memory_space<hbm>> -> memref<250x80xf32, #tpu.memory_space<hbm>>
      tpu.enqueue_dma source(%dma_start3A_48 : memref<250x80xf32, #tpu.memory_space<hbm>>) target(%arg9 : memref<250x80xf32, #tpu.memory_space<vmem>>) target_semaphore(%run_scoped3A : memref<!tpu.dma_semaphore, #tpu.memory_space<semaphore_mem>>)
      %dma_wait3A = arith.constant 0 : i32
      %dma_wait3A_49 = arith.constant 0 : i32
      %dma_wait3A_50 = tpu.memref_slice %arg5[%arg1, %dma_wait3A, %dma_wait3A_49] : memref<16x250x80xf32, #tpu.memory_space<hbm>> -> memref<1x250x80xf32, #tpu.memory_space<hbm>>
      %dma_wait3A_51 = tpu.memref_squeeze %dma_wait3A_50 : memref<1x250x80xf32, #tpu.memory_space<hbm>> -> memref<250x80xf32, #tpu.memory_space<hbm>>
      %dma_wait3A_52 = arith.constant 0 : i32
      %dma_wait3A_53 = arith.constant 0 : i32
      %dma_wait3A_54 = tpu.memref_slice %arg5[%arg1, %dma_wait3A_52, %dma_wait3A_53] : memref<16x250x80xf32, #tpu.memory_space<hbm>> -> memref<1x250x80xf32, #tpu.memory_space<hbm>>
      %dma_wait3A_55 = tpu.memref_squeeze %dma_wait3A_54 : memref<1x250x80xf32, #tpu.memory_space<hbm>> -> memref<250x80xf32, #tpu.memory_space<hbm>>
      tpu.wait_dma2 semaphore(%run_scoped3A : memref<!tpu.dma_semaphore, #tpu.memory_space<semaphore_mem>>) src(%dma_wait3A_55 : memref<250x80xf32, #tpu.memory_space<hbm>>) dst(%arg9 : memref<250x80xf32, #tpu.memory_space<vmem>>)
      tpu.yield
    }) : () -> ()
    %scan3A_18 = arith.constant 0 : i32
    %scan3A_19 = arith.constant 0 : i32
    %scan3A_20 = arith.constant 250 : i32
    %scan3A_21 = arith.addi %scan3A_19, %scan3A_20 : i32
    %scan3A_22 = arith.constant 1 : i32
    scf.for %scan3A_42 = %scan3A_19 to %scan3A_21 step %scan3A_22  : i32 {
      "tpu.region"() ({
        %run_scoped3A = tpu.sem_alloc : memref<!tpu.dma_semaphore, #tpu.memory_space<semaphore_mem>>
        %dma_start3A = arith.constant 0 : i32
        %dma_start3A_49 = tpu.memref_slice %arg8[%scan3A_42, %dma_start3A] : memref<250x80xi32, #tpu.memory_space<vmem>> -> memref<1x80xi32, #tpu.memory_space<vmem>>
        %dma_start3A_50 = tpu.memref_squeeze %dma_start3A_49 : memref<1x80xi32, #tpu.memory_space<vmem>> -> memref<80xi32, #tpu.memory_space<vmem>>
        %dma_start3A_51 = arith.constant 0 : i32
        %dma_start3A_52 = arith.constant 0 : i32
        %dma_start3A_53 = tpu.memref_slice %arg2[%arg0, %dma_start3A_51, %dma_start3A_52] : memref<2x10000x64xf32, #tpu.memory_space<hbm>> -> memref<1x10000x64xf32, #tpu.memory_space<hbm>>
        %dma_start3A_54 = tpu.memref_squeeze %dma_start3A_53 : memref<1x10000x64xf32, #tpu.memory_space<hbm>> -> memref<10000x64xf32, #tpu.memory_space<hbm>>
        %dma_start3A_55 = arith.constant 0 : i32
        %dma_start3A_56 = arith.constant 0 : i32
        %dma_start3A_57 = tpu.memref_slice %dma_start3A_54[%dma_start3A_55, %dma_start3A_56] : memref<10000x64xf32, #tpu.memory_space<hbm>> -> memref<10000x64xf32, #tpu.memory_space<hbm>>
        tpu.enqueue_indirect_dma source(%dma_start3A_57 : memref<10000x64xf32, #tpu.memory_space<hbm>>) target(%arg10 : memref<80x64xf32, #tpu.memory_space<vmem>>) offsets(%dma_start3A_50 : memref<80xi32, #tpu.memory_space<vmem>>) semaphore(%run_scoped3A : memref<!tpu.dma_semaphore, #tpu.memory_space<semaphore_mem>>)
        %dma_wait3A = arith.constant 0 : i32
        %dma_wait3A_58 = tpu.memref_slice %arg8[%scan3A_42, %dma_wait3A] : memref<250x80xi32, #tpu.memory_space<vmem>> -> memref<1x80xi32, #tpu.memory_space<vmem>>
        %dma_wait3A_59 = tpu.memref_squeeze %dma_wait3A_58 : memref<1x80xi32, #tpu.memory_space<vmem>> -> memref<80xi32, #tpu.memory_space<vmem>>
        %dma_wait3A_60 = arith.constant 0 : i32
        %dma_wait3A_61 = arith.constant 0 : i32
        %dma_wait3A_62 = tpu.memref_slice %arg2[%arg0, %dma_wait3A_60, %dma_wait3A_61] : memref<2x10000x64xf32, #tpu.memory_space<hbm>> -> memref<1x10000x64xf32, #tpu.memory_space<hbm>>
        %dma_wait3A_63 = tpu.memref_squeeze %dma_wait3A_62 : memref<1x10000x64xf32, #tpu.memory_space<hbm>> -> memref<10000x64xf32, #tpu.memory_space<hbm>>
        %dma_wait3A_64 = arith.constant 0 : i32
        %dma_wait3A_65 = arith.constant 0 : i32
        %dma_wait3A_66 = tpu.memref_slice %dma_wait3A_63[%dma_wait3A_64, %dma_wait3A_65] : memref<10000x64xf32, #tpu.memory_space<hbm>> -> memref<10000x64xf32, #tpu.memory_space<hbm>>
        tpu.wait_indirect_dma semaphore(%run_scoped3A : memref<!tpu.dma_semaphore, #tpu.memory_space<semaphore_mem>>) src(%dma_wait3A_66 : memref<10000x64xf32, #tpu.memory_space<hbm>>) dst(%arg10 : memref<80x64xf32, #tpu.memory_space<vmem>>)
        tpu.yield
      }) : () -> ()
      %scan3A_43 = arith.constant 0 : i32
      %scan3A_44 = arith.constant 0 : i32
      %scan3A_45 = arith.constant 5 : i32
      %scan3A_46 = arith.addi %scan3A_44, %scan3A_45 : i32
      %scan3A_47 = arith.constant 1 : i32
      scf.for %scan3A_49 = %scan3A_44 to %scan3A_46 step %scan3A_47  : i32 {
        %mul3A_50 = arith.constant 16 : i32
        %mul3A_51 = arith.muli %scan3A_49, %mul3A_50 : i32
        %get3A = arith.index_cast %scan3A_42 : i32 to index
        %get3A_52 = arith.index_cast %mul3A_51 : i32 to index
        %get3A_53 = tpu.vector_load %arg9[%get3A, %get3A_52] {strides = array<i32>} : memref<250x80xf32, #tpu.memory_space<vmem>>, vector<1x16xf32>,
        %get3A_54 = vector.shape_cast %get3A_53 : vector<1x16xf32> to vector<16xf32>
        %broadcast_in_dim3A_55 = arith.constant 0 : i32
        %broadcast_in_dim3A_56 = vector.broadcast %broadcast_in_dim3A_55 : i32 to vector<16xi32>
        %lt3A = arith.constant 0 : i32
        %lt3A_57 = vector.broadcast %lt3A : i32 to vector<16xi32>
        %lt3A_58 = arith.cmpi slt, %broadcast_in_dim3A_56, %lt3A_57 : vector<16xi32>
        %add3A_59 = arith.constant 16 : i32
        %add3A_60 = vector.broadcast %add3A_59 : i32 to vector<16xi32>
        %add3A_61 = arith.addi %broadcast_in_dim3A_56, %add3A_60 : vector<16xi32>
        %select_n3A = arith.select %lt3A_58, %add3A_61, %broadcast_in_dim3A_56 : vector<16xi1>, vector<16xi32>
        %broadcast_in_dim3A_62 = vector.shape_cast %select_n3A : vector<16xi32> to vector<16x1xi32>
        %gather3A = vector.shape_cast %broadcast_in_dim3A_62 : vector<16x1xi32> to vector<16xi32>
        %gather3A_63 = tpu.dynamic_gather %get3A_54[%gather3A] in [0] : vector<16xf32>, vector<16xi32> -> vector<16xf32>
        %mul3A_64 = arith.constant 16 : i32
        %mul3A_65 = arith.muli %scan3A_49, %mul3A_64 : i32
        %add3A_66 = arith.constant 0 : i32
        %add3A_67 = arith.addi %mul3A_65, %add3A_66 : i32
        %get3A_68 = arith.index_cast %add3A_67 : i32 to index
        %get3A_69 = arith.constant 0 : index
        %get3A_70 = tpu.vector_load %arg10[%get3A_68, %get3A_69] {strides = array<i32>} : memref<80x64xf32, #tpu.memory_space<vmem>>, vector<1x16xf32>,
        %get3A_71 = vector.shape_cast %get3A_70 : vector<1x16xf32> to vector<16xf32>
        %mul3A_72 = arith.mulf %get3A_71, %gather3A_63 : vector<16xf32>
        %swap3A = arith.index_cast %add3A_67 : i32 to index
        %swap3A_73 = arith.constant 0 : index
        %swap3A_74 = tpu.vector_load %arg10[%swap3A, %swap3A_73] {strides = array<i32>} : memref<80x64xf32, #tpu.memory_space<vmem>>, vector<1x16xf32>,
        %swap3A_75 = vector.shape_cast %swap3A_74 : vector<1x16xf32> to vector<16xf32>
        %swap3A_76 = vector.shape_cast %mul3A_72 : vector<16xf32> to vector<1x16xf32>
        tpu.vector_store %arg10[%swap3A, %swap3A_73], %swap3A_76 {strides = array<i32>} : memref<80x64xf32, #tpu.memory_space<vmem>>, vector<1x16xf32>,
        %get3A_77 = arith.index_cast %add3A_67 : i32 to index
        %get3A_78 = arith.constant 16 : index
        %get3A_79 = tpu.vector_load %arg10[%get3A_77, %get3A_78] {strides = array<i32>} : memref<80x64xf32, #tpu.memory_space<vmem>>, vector<1x16xf32>,
        %get3A_80 = vector.shape_cast %get3A_79 : vector<1x16xf32> to vector<16xf32>
        %mul3A_81 = arith.mulf %get3A_80, %gather3A_63 : vector<16xf32>
        %swap3A_82 = arith.index_cast %add3A_67 : i32 to index
        %swap3A_83 = arith.constant 16 : index
        %swap3A_84 = tpu.vector_load %arg10[%swap3A_82, %swap3A_83] {strides = array<i32>} : memref<80x64xf32, #tpu.memory_space<vmem>>, vector<1x16xf32>,
        %swap3A_85 = vector.shape_cast %swap3A_84 : vector<1x16xf32> to vector<16xf32>
        %swap3A_86 = vector.shape_cast %mul3A_81 : vector<16xf32> to vector<1x16xf32>
        tpu.vector_store %arg10[%swap3A_82, %swap3A_83], %swap3A_86 {strides = array<i32>} : memref<80x64xf32, #tpu.memory_space<vmem>>, vector<1x16xf32>,
        %get3A_87 = arith.index_cast %add3A_67 : i32 to index
        %get3A_88 = arith.constant 32 : index
        %get3A_89 = tpu.vector_load %arg10[%get3A_87, %get3A_88] {strides = array<i32>} : memref<80x64xf32, #tpu.memory_space<vmem>>, vector<1x16xf32>,
        %get3A_90 = vector.shape_cast %get3A_89 : vector<1x16xf32> to vector<16xf32>
        %mul3A_91 = arith.mulf %get3A_90, %gather3A_63 : vector<16xf32>
        %swap3A_92 = arith.index_cast %add3A_67 : i32 to index
        %swap3A_93 = arith.constant 32 : index
        %swap3A_94 = tpu.vector_load %arg10[%swap3A_92, %swap3A_93] {strides = array<i32>} : memref<80x64xf32, #tpu.memory_space<vmem>>, vector<1x16xf32>,
        %swap3A_95 = vector.shape_cast %swap3A_94 : vector<1x16xf32> to vector<16xf32>
        %swap3A_96 = vector.shape_cast %mul3A_91 : vector<16xf32> to vector<1x16xf32>
        tpu.vector_store %arg10[%swap3A_92, %swap3A_93], %swap3A_96 {strides = array<i32>} : memref<80x64xf32, #tpu.memory_space<vmem>>, vector<1x16xf32>,
        %get3A_97 = arith.index_cast %add3A_67 : i32 to index
        %get3A_98 = arith.constant 48 : index
        %get3A_99 = tpu.vector_load %arg10[%get3A_97, %get3A_98] {strides = array<i32>} : memref<80x64xf32, #tpu.memory_space<vmem>>, vector<1x16xf32>,
        %get3A_100 = vector.shape_cast %get3A_99 : vector<1x16xf32> to vector<16xf32>
        %mul3A_101 = arith.mulf %get3A_100, %gather3A_63 : vector<16xf32>
        %swap3A_102 = arith.index_cast %add3A_67 : i32 to index
        %swap3A_103 = arith.constant 48 : index
        %swap3A_104 = tpu.vector_load %arg10[%swap3A_102, %swap3A_103] {strides = array<i32>} : memref<80x64xf32, #tpu.memory_space<vmem>>, vector<1x16xf32>,
        %swap3A_105 = vector.shape_cast %swap3A_104 : vector<1x16xf32> to vector<16xf32>
        %swap3A_106 = vector.shape_cast %mul3A_101 : vector<16xf32> to vector<1x16xf32>
        tpu.vector_store %arg10[%swap3A_102, %swap3A_103], %swap3A_106 {strides = array<i32>} : memref<80x64xf32, #tpu.memory_space<vmem>>, vector<1x16xf32>,
        %broadcast_in_dim3A_107 = arith.constant 1 : i32
        %broadcast_in_dim3A_108 = vector.broadcast %broadcast_in_dim3A_107 : i32 to vector<16xi32>
        %lt3A_109 = arith.constant 0 : i32
        %lt3A_110 = vector.broadcast %lt3A_109 : i32 to vector<16xi32>
        %lt3A_111 = arith.cmpi slt, %broadcast_in_dim3A_108, %lt3A_110 : vector<16xi32>
        %add3A_112 = arith.constant 16 : i32
        %add3A_113 = vector.broadcast %add3A_112 : i32 to vector<16xi32>
        %add3A_114 = arith.addi %broadcast_in_dim3A_108, %add3A_113 : vector<16xi32>
        %select_n3A_115 = arith.select %lt3A_111, %add3A_114, %broadcast_in_dim3A_108 : vector<16xi1>, vector<16xi32>
        %broadcast_in_dim3A_116 = vector.shape_cast %select_n3A_115 : vector<16xi32> to vector<16x1xi32>
        %gather3A_117 = vector.shape_cast %broadcast_in_dim3A_116 : vector<16x1xi32> to vector<16xi32>
        %gather3A_118 = tpu.dynamic_gather %get3A_54[%gather3A_117] in [0] : vector<16xf32>, vector<16xi32> -> vector<16xf32>
        %mul3A_119 = arith.constant 16 : i32
        %mul3A_120 = arith.muli %scan3A_49, %mul3A_119 : i32
        %add3A_121 = arith.constant 1 : i32
        %add3A_122 = arith.addi %mul3A_120, %add3A_121 : i32
        %get3A_123 = arith.index_cast %add3A_122 : i32 to index
        %get3A_124 = arith.constant 0 : index
        %get3A_125 = tpu.vector_load %arg10[%get3A_123, %get3A_124] {strides = array<i32>} : memref<80x64xf32, #tpu.memory_space<vmem>>, vector<1x16xf32>,
        %get3A_126 = vector.shape_cast %get3A_125 : vector<1x16xf32> to vector<16xf32>
        %mul3A_127 = arith.mulf %get3A_126, %gather3A_118 : vector<16xf32>
        %swap3A_128 = arith.index_cast %add3A_122 : i32 to index
        %swap3A_129 = arith.constant 0 : index
        %swap3A_130 = tpu.vector_load %arg10[%swap3A_128, %swap3A_129] {strides = array<i32>} : memref<80x64xf32, #tpu.memory_space<vmem>>, vector<1x16xf32>,
        %swap3A_131 = vector.shape_cast %swap3A_130 : vector<1x16xf32> to vector<16xf32>
        %swap3A_132 = vector.shape_cast %mul3A_127 : vector<16xf32> to vector<1x16xf32>
        tpu.vector_store %arg10[%swap3A_128, %swap3A_129], %swap3A_132 {strides = array<i32>} : memref<80x64xf32, #tpu.memory_space<vmem>>, vector<1x16xf32>,
        %get3A_133 = arith.index_cast %add3A_122 : i32 to index
        %get3A_134 = arith.constant 16 : index
        %get3A_135 = tpu.vector_load %arg10[%get3A_133, %get3A_134] {strides = array<i32>} : memref<80x64xf32, #tpu.memory_space<vmem>>, vector<1x16xf32>,
        %get3A_136 = vector.shape_cast %get3A_135 : vector<1x16xf32> to vector<16xf32>
        %mul3A_137 = arith.mulf %get3A_136, %gather3A_118 : vector<16xf32>
        %swap3A_138 = arith.index_cast %add3A_122 : i32 to index
        %swap3A_139 = arith.constant 16 : index
        %swap3A_140 = tpu.vector_load %arg10[%swap3A_138, %swap3A_139] {strides = array<i32>} : memref<80x64xf32, #tpu.memory_space<vmem>>, vector<1x16xf32>,
        %swap3A_141 = vector.shape_cast %swap3A_140 : vector<1x16xf32> to vector<16xf32>
        %swap3A_142 = vector.shape_cast %mul3A_137 : vector<16xf32> to vector<1x16xf32>
        tpu.vector_store %arg10[%swap3A_138, %swap3A_139], %swap3A_142 {strides = array<i32>} : memref<80x64xf32, #tpu.memory_space<vmem>>, vector<1x16xf32>,
        %get3A_143 = arith.index_cast %add3A_122 : i32 to index
        %get3A_144 = arith.constant 32 : index
        %get3A_145 = tpu.vector_load %arg10[%get3A_143, %get3A_144] {strides = array<i32>} : memref<80x64xf32, #tpu.memory_space<vmem>>, vector<1x16xf32>,
        %get3A_146 = vector.shape_cast %get3A_145 : vector<1x16xf32> to vector<16xf32>
        %mul3A_147 = arith.mulf %get3A_146, %gather3A_118 : vector<16xf32>
        %swap3A_148 = arith.index_cast %add3A_122 : i32 to index
        %swap3A_149 = arith.constant 32 : index
        %swap3A_150 = tpu.vector_load %arg10[%swap3A_148, %swap3A_149] {strides = array<i32>} : memref<80x64xf32, #tpu.memory_space<vmem>>, vector<1x16xf32>,
        %swap3A_151 = vector.shape_cast %swap3A_150 : vector<1x16xf32> to vector<16xf32>
        %swap3A_152 = vector.shape_cast %mul3A_147 : vector<16xf32> to vector<1x16xf32>
        tpu.vector_store %arg10[%swap3A_148, %swap3A_149], %swap3A_152 {strides = array<i32>} : memref<80x64xf32, #tpu.memory_space<vmem>>, vector<1x16xf32>,
        %get3A_153 = arith.index_cast %add3A_122 : i32 to index
        %get3A_154 = arith.constant 48 : index
        %get3A_155 = tpu.vector_load %arg10[%get3A_153, %get3A_154] {strides = array<i32>} : memref<80x64xf32, #tpu.memory_space<vmem>>, vector<1x16xf32>,
        %get3A_156 = vector.shape_cast %get3A_155 : vector<1x16xf32> to vector<16xf32>
        %mul3A_157 = arith.mulf %get3A_156, %gather3A_118 : vector<16xf32>
        %swap3A_158 = arith.index_cast %add3A_122 : i32 to index
        %swap3A_159 = arith.constant 48 : index
        %swap3A_160 = tpu.vector_load %arg10[%swap3A_158, %swap3A_159] {strides = array<i32>} : memref<80x64xf32, #tpu.memory_space<vmem>>, vector<1x16xf32>,
        %swap3A_161 = vector.shape_cast %swap3A_160 : vector<1x16xf32> to vector<16xf32>
        %swap3A_162 = vector.shape_cast %mul3A_157 : vector<16xf32> to vector<1x16xf32>
        tpu.vector_store %arg10[%swap3A_158, %swap3A_159], %swap3A_162 {strides = array<i32>} : memref<80x64xf32, #tpu.memory_space<vmem>>, vector<1x16xf32>,
        %broadcast_in_dim3A_163 = arith.constant 2 : i32
        %broadcast_in_dim3A_164 = vector.broadcast %broadcast_in_dim3A_163 : i32 to vector<16xi32>
        %lt3A_165 = arith.constant 0 : i32
        %lt3A_166 = vector.broadcast %lt3A_165 : i32 to vector<16xi32>
        %lt3A_167 = arith.cmpi slt, %broadcast_in_dim3A_164, %lt3A_166 : vector<16xi32>
        %add3A_168 = arith.constant 16 : i32
        %add3A_169 = vector.broadcast %add3A_168 : i32 to vector<16xi32>
        %add3A_170 = arith.addi %broadcast_in_dim3A_164, %add3A_169 : vector<16xi32>
        %select_n3A_171 = arith.select %lt3A_167, %add3A_170, %broadcast_in_dim3A_164 : vector<16xi1>, vector<16xi32>
        %broadcast_in_dim3A_172 = vector.shape_cast %select_n3A_171 : vector<16xi32> to vector<16x1xi32>
        %gather3A_173 = vector.shape_cast %broadcast_in_dim3A_172 : vector<16x1xi32> to vector<16xi32>
        %gather3A_174 = tpu.dynamic_gather %get3A_54[%gather3A_173] in [0] : vector<16xf32>, vector<16xi32> -> vector<16xf32>
        %mul3A_175 = arith.constant 16 : i32
        %mul3A_176 = arith.muli %scan3A_49, %mul3A_175 : i32
        %add3A_177 = arith.constant 2 : i32
        %add3A_178 = arith.addi %mul3A_176, %add3A_177 : i32
        %get3A_179 = arith.index_cast %add3A_178 : i32 to index
        %get3A_180 = arith.constant 0 : index
        %get3A_181 = tpu.vector_load %arg10[%get3A_179, %get3A_180] {strides = array<i32>} : memref<80x64xf32, #tpu.memory_space<vmem>>, vector<1x16xf32>,
        %get3A_182 = vector.shape_cast %get3A_181 : vector<1x16xf32> to vector<16xf32>
        %mul3A_183 = arith.mulf %get3A_182, %gather3A_174 : vector<16xf32>
        %swap3A_184 = arith.index_cast %add3A_178 : i32 to index
        %swap3A_185 = arith.constant 0 : index
        %swap3A_186 = tpu.vector_load %arg10[%swap3A_184, %swap3A_185] {strides = array<i32>} : memref<80x64xf32, #tpu.memory_space<vmem>>, vector<1x16xf32>,
        %swap3A_187 = vector.shape_cast %swap3A_186 : vector<1x16xf32> to vector<16xf32>
        %swap3A_188 = vector.shape_cast %mul3A_183 : vector<16xf32> to vector<1x16xf32>
        tpu.vector_store %arg10[%swap3A_184, %swap3A_185], %swap3A_188 {strides = array<i32>} : memref<80x64xf32, #tpu.memory_space<vmem>>, vector<1x16xf32>,
        %get3A_189 = arith.index_cast %add3A_178 : i32 to index
        %get3A_190 = arith.constant 16 : index
        %get3A_191 = tpu.vector_load %arg10[%get3A_189, %get3A_190] {strides = array<i32>} : memref<80x64xf32, #tpu.memory_space<vmem>>, vector<1x16xf32>,
        %get3A_192 = vector.shape_cast %get3A_191 : vector<1x16xf32> to vector<16xf32>
        %mul3A_193 = arith.mulf %get3A_192, %gather3A_174 : vector<16xf32>
        %swap3A_194 = arith.index_cast %add3A_178 : i32 to index
        %swap3A_195 = arith.constant 16 : index
        %swap3A_196 = tpu.vector_load %arg10[%swap3A_194, %swap3A_195] {strides = array<i32>} : memref<80x64xf32, #tpu.memory_space<vmem>>, vector<1x16xf32>,
        %swap3A_197 = vector.shape_cast %swap3A_196 : vector<1x16xf32> to vector<16xf32>
        %swap3A_198 = vector.shape_cast %mul3A_193 : vector<16xf32> to vector<1x16xf32>
        tpu.vector_store %arg10[%swap3A_194, %swap3A_195], %swap3A_198 {strides = array<i32>} : memref<80x64xf32, #tpu.memory_space<vmem>>, vector<1x16xf32>,
        %get3A_199 = arith.index_cast %add3A_178 : i32 to index
        %get3A_200 = arith.constant 32 : index
        %get3A_201 = tpu.vector_load %arg10[%get3A_199, %get3A_200] {strides = array<i32>} : memref<80x64xf32, #tpu.memory_space<vmem>>, vector<1x16xf32>,
        %get3A_202 = vector.shape_cast %get3A_201 : vector<1x16xf32> to vector<16xf32>
        %mul3A_203 = arith.mulf %get3A_202, %gather3A_174 : vector<16xf32>
        %swap3A_204 = arith.index_cast %add3A_178 : i32 to index
        %swap3A_205 = arith.constant 32 : index
        %swap3A_206 = tpu.vector_load %arg10[%swap3A_204, %swap3A_205] {strides = array<i32>} : memref<80x64xf32, #tpu.memory_space<vmem>>, vector<1x16xf32>,
        %swap3A_207 = vector.shape_cast %swap3A_206 : vector<1x16xf32> to vector<16xf32>
        %swap3A_208 = vector.shape_cast %mul3A_203 : vector<16xf32> to vector<1x16xf32>
        tpu.vector_store %arg10[%swap3A_204, %swap3A_205], %swap3A_208 {strides = array<i32>} : memref<80x64xf32, #tpu.memory_space<vmem>>, vector<1x16xf32>,
        %get3A_209 = arith.index_cast %add3A_178 : i32 to index
        %get3A_210 = arith.constant 48 : index
        %get3A_211 = tpu.vector_load %arg10[%get3A_209, %get3A_210] {strides = array<i32>} : memref<80x64xf32, #tpu.memory_space<vmem>>, vector<1x16xf32>,
        %get3A_212 = vector.shape_cast %get3A_211 : vector<1x16xf32> to vector<16xf32>
        %mul3A_213 = arith.mulf %get3A_212, %gather3A_174 : vector<16xf32>
        %swap3A_214 = arith.index_cast %add3A_178 : i32 to index
        %swap3A_215 = arith.constant 48 : index
        %swap3A_216 = tpu.vector_load %arg10[%swap3A_214, %swap3A_215] {strides = array<i32>} : memref<80x64xf32, #tpu.memory_space<vmem>>, vector<1x16xf32>,
        %swap3A_217 = vector.shape_cast %swap3A_216 : vector<1x16xf32> to vector<16xf32>
        %swap3A_218 = vector.shape_cast %mul3A_213 : vector<16xf32> to vector<1x16xf32>
        tpu.vector_store %arg10[%swap3A_214, %swap3A_215], %swap3A_218 {strides = array<i32>} : memref<80x64xf32, #tpu.memory_space<vmem>>, vector<1x16xf32>,
        %broadcast_in_dim3A_219 = arith.constant 3 : i32
        %broadcast_in_dim3A_220 = vector.broadcast %broadcast_in_dim3A_219 : i32 to vector<16xi32>
        %lt3A_221 = arith.constant 0 : i32
        %lt3A_222 = vector.broadcast %lt3A_221 : i32 to vector<16xi32>
        %lt3A_223 = arith.cmpi slt, %broadcast_in_dim3A_220, %lt3A_222 : vector<16xi32>
        %add3A_224 = arith.constant 16 : i32
        %add3A_225 = vector.broadcast %add3A_224 : i32 to vector<16xi32>
        %add3A_226 = arith.addi %broadcast_in_dim3A_220, %add3A_225 : vector<16xi32>
        %select_n3A_227 = arith.select %lt3A_223, %add3A_226, %broadcast_in_dim3A_220 : vector<16xi1>, vector<16xi32>
        %broadcast_in_dim3A_228 = vector.shape_cast %select_n3A_227 : vector<16xi32> to vector<16x1xi32>
        %gather3A_229 = vector.shape_cast %broadcast_in_dim3A_228 : vector<16x1xi32> to vector<16xi32>
        %gather3A_230 = tpu.dynamic_gather %get3A_54[%gather3A_229] in [0] : vector<16xf32>, vector<16xi32> -> vector<16xf32>
        %mul3A_231 = arith.constant 16 : i32
        %mul3A_232 = arith.muli %scan3A_49, %mul3A_231 : i32
        %add3A_233 = arith.constant 3 : i32
        %add3A_234 = arith.addi %mul3A_232, %add3A_233 : i32
        %get3A_235 = arith.index_cast %add3A_234 : i32 to index
        %get3A_236 = arith.constant 0 : index
        %get3A_237 = tpu.vector_load %arg10[%get3A_235, %get3A_236] {strides = array<i32>} : memref<80x64xf32, #tpu.memory_space<vmem>>, vector<1x16xf32>,
        %get3A_238 = vector.shape_cast %get3A_237 : vector<1x16xf32> to vector<16xf32>
        %mul3A_239 = arith.mulf %get3A_238, %gather3A_230 : vector<16xf32>
        %swap3A_240 = arith.index_cast %add3A_234 : i32 to index
        %swap3A_241 = arith.constant 0 : index
        %swap3A_242 = tpu.vector_load %arg10[%swap3A_240, %swap3A_241] {strides = array<i32>} : memref<80x64xf32, #tpu.memory_space<vmem>>, vector<1x16xf32>,
        %swap3A_243 = vector.shape_cast %swap3A_242 : vector<1x16xf32> to vector<16xf32>
        %swap3A_244 = vector.shape_cast %mul3A_239 : vector<16xf32> to vector<1x16xf32>
        tpu.vector_store %arg10[%swap3A_240, %swap3A_241], %swap3A_244 {strides = array<i32>} : memref<80x64xf32, #tpu.memory_space<vmem>>, vector<1x16xf32>,
        %get3A_245 = arith.index_cast %add3A_234 : i32 to index
        %get3A_246 = arith.constant 16 : index
        %get3A_247 = tpu.vector_load %arg10[%get3A_245, %get3A_246] {strides = array<i32>} : memref<80x64xf32, #tpu.memory_space<vmem>>, vector<1x16xf32>,
        %get3A_248 = vector.shape_cast %get3A_247 : vector<1x16xf32> to vector<16xf32>
        %mul3A_249 = arith.mulf %get3A_248, %gather3A_230 : vector<16xf32>
        %swap3A_250 = arith.index_cast %add3A_234 : i32 to index
        %swap3A_251 = arith.constant 16 : index
        %swap3A_252 = tpu.vector_load %arg10[%swap3A_250, %swap3A_251] {strides = array<i32>} : memref<80x64xf32, #tpu.memory_space<vmem>>, vector<1x16xf32>,
        %swap3A_253 = vector.shape_cast %swap3A_252 : vector<1x16xf32> to vector<16xf32>
        %swap3A_254 = vector.shape_cast %mul3A_249 : vector<16xf32> to vector<1x16xf32>
        tpu.vector_store %arg10[%swap3A_250, %swap3A_251], %swap3A_254 {strides = array<i32>} : memref<80x64xf32, #tpu.memory_space<vmem>>, vector<1x16xf32>,
        %get3A_255 = arith.index_cast %add3A_234 : i32 to index
        %get3A_256 = arith.constant 32 : index
        %get3A_257 = tpu.vector_load %arg10[%get3A_255, %get3A_256] {strides = array<i32>} : memref<80x64xf32, #tpu.memory_space<vmem>>, vector<1x16xf32>,
        %get3A_258 = vector.shape_cast %get3A_257 : vector<1x16xf32> to vector<16xf32>
        %mul3A_259 = arith.mulf %get3A_258, %gather3A_230 : vector<16xf32>
        %swap3A_260 = arith.index_cast %add3A_234 : i32 to index
        %swap3A_261 = arith.constant 32 : index
        %swap3A_262 = tpu.vector_load %arg10[%swap3A_260, %swap3A_261] {strides = array<i32>} : memref<80x64xf32, #tpu.memory_space<vmem>>, vector<1x16xf32>,
        %swap3A_263 = vector.shape_cast %swap3A_262 : vector<1x16xf32> to vector<16xf32>
        %swap3A_264 = vector.shape_cast %mul3A_259 : vector<16xf32> to vector<1x16xf32>
        tpu.vector_store %arg10[%swap3A_260, %swap3A_261], %swap3A_264 {strides = array<i32>} : memref<80x64xf32, #tpu.memory_space<vmem>>, vector<1x16xf32>,
        %get3A_265 = arith.index_cast %add3A_234 : i32 to index
        %get3A_266 = arith.constant 48 : index
        %get3A_267 = tpu.vector_load %arg10[%get3A_265, %get3A_266] {strides = array<i32>} : memref<80x64xf32, #tpu.memory_space<vmem>>, vector<1x16xf32>,
        %get3A_268 = vector.shape_cast %get3A_267 : vector<1x16xf32> to vector<16xf32>
        %mul3A_269 = arith.mulf %get3A_268, %gather3A_230 : vector<16xf32>
        %swap3A_270 = arith.index_cast %add3A_234 : i32 to index
        %swap3A_271 = arith.constant 48 : index
        %swap3A_272 = tpu.vector_load %arg10[%swap3A_270, %swap3A_271] {strides = array<i32>} : memref<80x64xf32, #tpu.memory_space<vmem>>, vector<1x16xf32>,
        %swap3A_273 = vector.shape_cast %swap3A_272 : vector<1x16xf32> to vector<16xf32>
        %swap3A_274 = vector.shape_cast %mul3A_269 : vector<16xf32> to vector<1x16xf32>
        tpu.vector_store %arg10[%swap3A_270, %swap3A_271], %swap3A_274 {strides = array<i32>} : memref<80x64xf32, #tpu.memory_space<vmem>>, vector<1x16xf32>,
        %broadcast_in_dim3A_275 = arith.constant 4 : i32
        %broadcast_in_dim3A_276 = vector.broadcast %broadcast_in_dim3A_275 : i32 to vector<16xi32>
        %lt3A_277 = arith.constant 0 : i32
        %lt3A_278 = vector.broadcast %lt3A_277 : i32 to vector<16xi32>
        %lt3A_279 = arith.cmpi slt, %broadcast_in_dim3A_276, %lt3A_278 : vector<16xi32>
        %add3A_280 = arith.constant 16 : i32
        %add3A_281 = vector.broadcast %add3A_280 : i32 to vector<16xi32>
        %add3A_282 = arith.addi %broadcast_in_dim3A_276, %add3A_281 : vector<16xi32>
        %select_n3A_283 = arith.select %lt3A_279, %add3A_282, %broadcast_in_dim3A_276 : vector<16xi1>, vector<16xi32>
        %broadcast_in_dim3A_284 = vector.shape_cast %select_n3A_283 : vector<16xi32> to vector<16x1xi32>
        %gather3A_285 = vector.shape_cast %broadcast_in_dim3A_284 : vector<16x1xi32> to vector<16xi32>
        %gather3A_286 = tpu.dynamic_gather %get3A_54[%gather3A_285] in [0] : vector<16xf32>, vector<16xi32> -> vector<16xf32>
        %mul3A_287 = arith.constant 16 : i32
        %mul3A_288 = arith.muli %scan3A_49, %mul3A_287 : i32
        %add3A_289 = arith.constant 4 : i32
        %add3A_290 = arith.addi %mul3A_288, %add3A_289 : i32
        %get3A_291 = arith.index_cast %add3A_290 : i32 to index
        %get3A_292 = arith.constant 0 : index
        %get3A_293 = tpu.vector_load %arg10[%get3A_291, %get3A_292] {strides = array<i32>} : memref<80x64xf32, #tpu.memory_space<vmem>>, vector<1x16xf32>,
        %get3A_294 = vector.shape_cast %get3A_293 : vector<1x16xf32> to vector<16xf32>
        %mul3A_295 = arith.mulf %get3A_294, %gather3A_286 : vector<16xf32>
        %swap3A_296 = arith.index_cast %add3A_290 : i32 to index
        %swap3A_297 = arith.constant 0 : index
        %swap3A_298 = tpu.vector_load %arg10[%swap3A_296, %swap3A_297] {strides = array<i32>} : memref<80x64xf32, #tpu.memory_space<vmem>>, vector<1x16xf32>,
        %swap3A_299 = vector.shape_cast %swap3A_298 : vector<1x16xf32> to vector<16xf32>
        %swap3A_300 = vector.shape_cast %mul3A_295 : vector<16xf32> to vector<1x16xf32>
        tpu.vector_store %arg10[%swap3A_296, %swap3A_297], %swap3A_300 {strides = array<i32>} : memref<80x64xf32, #tpu.memory_space<vmem>>, vector<1x16xf32>,
        %get3A_301 = arith.index_cast %add3A_290 : i32 to index
        %get3A_302 = arith.constant 16 : index
        %get3A_303 = tpu.vector_load %arg10[%get3A_301, %get3A_302] {strides = array<i32>} : memref<80x64xf32, #tpu.memory_space<vmem>>, vector<1x16xf32>,
        %get3A_304 = vector.shape_cast %get3A_303 : vector<1x16xf32> to vector<16xf32>
        %mul3A_305 = arith.mulf %get3A_304, %gather3A_286 : vector<16xf32>
        %swap3A_306 = arith.index_cast %add3A_290 : i32 to index
        %swap3A_307 = arith.constant 16 : index
        %swap3A_308 = tpu.vector_load %arg10[%swap3A_306, %swap3A_307] {strides = array<i32>} : memref<80x64xf32, #tpu.memory_space<vmem>>, vector<1x16xf32>,
        %swap3A_309 = vector.shape_cast %swap3A_308 : vector<1x16xf32> to vector<16xf32>
        %swap3A_310 = vector.shape_cast %mul3A_305 : vector<16xf32> to vector<1x16xf32>
        tpu.vector_store %arg10[%swap3A_306, %swap3A_307], %swap3A_310 {strides = array<i32>} : memref<80x64xf32, #tpu.memory_space<vmem>>, vector<1x16xf32>,
        %get3A_311 = arith.index_cast %add3A_290 : i32 to index
        %get3A_312 = arith.constant 32 : index
        %get3A_313 = tpu.vector_load %arg10[%get3A_311, %get3A_312] {strides = array<i32>} : memref<80x64xf32, #tpu.memory_space<vmem>>, vector<1x16xf32>,
        %get3A_314 = vector.shape_cast %get3A_313 : vector<1x16xf32> to vector<16xf32>
        %mul3A_315 = arith.mulf %get3A_314, %gather3A_286 : vector<16xf32>
        %swap3A_316 = arith.index_cast %add3A_290 : i32 to index
        %swap3A_317 = arith.constant 32 : index
        %swap3A_318 = tpu.vector_load %arg10[%swap3A_316, %swap3A_317] {strides = array<i32>} : memref<80x64xf32, #tpu.memory_space<vmem>>, vector<1x16xf32>,
        %swap3A_319 = vector.shape_cast %swap3A_318 : vector<1x16xf32> to vector<16xf32>
        %swap3A_320 = vector.shape_cast %mul3A_315 : vector<16xf32> to vector<1x16xf32>
        tpu.vector_store %arg10[%swap3A_316, %swap3A_317], %swap3A_320 {strides = array<i32>} : memref<80x64xf32, #tpu.memory_space<vmem>>, vector<1x16xf32>,
        %get3A_321 = arith.index_cast %add3A_290 : i32 to index
        %get3A_322 = arith.constant 48 : index
        %get3A_323 = tpu.vector_load %arg10[%get3A_321, %get3A_322] {strides = array<i32>} : memref<80x64xf32, #tpu.memory_space<vmem>>, vector<1x16xf32>,
        %get3A_324 = vector.shape_cast %get3A_323 : vector<1x16xf32> to vector<16xf32>
        %mul3A_325 = arith.mulf %get3A_324, %gather3A_286 : vector<16xf32>
        %swap3A_326 = arith.index_cast %add3A_290 : i32 to index
        %swap3A_327 = arith.constant 48 : index
        %swap3A_328 = tpu.vector_load %arg10[%swap3A_326, %swap3A_327] {strides = array<i32>} : memref<80x64xf32, #tpu.memory_space<vmem>>, vector<1x16xf32>,
        %swap3A_329 = vector.shape_cast %swap3A_328 : vector<1x16xf32> to vector<16xf32>
        %swap3A_330 = vector.shape_cast %mul3A_325 : vector<16xf32> to vector<1x16xf32>
        tpu.vector_store %arg10[%swap3A_326, %swap3A_327], %swap3A_330 {strides = array<i32>} : memref<80x64xf32, #tpu.memory_space<vmem>>, vector<1x16xf32>,
        %broadcast_in_dim3A_331 = arith.constant 5 : i32
        %broadcast_in_dim3A_332 = vector.broadcast %broadcast_in_dim3A_331 : i32 to vector<16xi32>
        %lt3A_333 = arith.constant 0 : i32
        %lt3A_334 = vector.broadcast %lt3A_333 : i32 to vector<16xi32>
        %lt3A_335 = arith.cmpi slt, %broadcast_in_dim3A_332, %lt3A_334 : vector<16xi32>
        %add3A_336 = arith.constant 16 : i32
        %add3A_337 = vector.broadcast %add3A_336 : i32 to vector<16xi32>
        %add3A_338 = arith.addi %broadcast_in_dim3A_332, %add3A_337 : vector<16xi32>
        %select_n3A_339 = arith.select %lt3A_335, %add3A_338, %broadcast_in_dim3A_332 : vector<16xi1>, vector<16xi32>
        %broadcast_in_dim3A_340 = vector.shape_cast %select_n3A_339 : vector<16xi32> to vector<16x1xi32>
        %gather3A_341 = vector.shape_cast %broadcast_in_dim3A_340 : vector<16x1xi32> to vector<16xi32>
        %gather3A_342 = tpu.dynamic_gather %get3A_54[%gather3A_341] in [0] : vector<16xf32>, vector<16xi32> -> vector<16xf32>
        %mul3A_343 = arith.constant 16 : i32
        %mul3A_344 = arith.muli %scan3A_49, %mul3A_343 : i32
        %add3A_345 = arith.constant 5 : i32
        %add3A_346 = arith.addi %mul3A_344, %add3A_345 : i32
        %get3A_347 = arith.index_cast %add3A_346 : i32 to index
        %get3A_348 = arith.constant 0 : index
        %get3A_349 = tpu.vector_load %arg10[%get3A_347, %get3A_348] {strides = array<i32>} : memref<80x64xf32, #tpu.memory_space<vmem>>, vector<1x16xf32>,
        %get3A_350 = vector.shape_cast %get3A_349 : vector<1x16xf32> to vector<16xf32>
        %mul3A_351 = arith.mulf %get3A_350, %gather3A_342 : vector<16xf32>
        %swap3A_352 = arith.index_cast %add3A_346 : i32 to index
        %swap3A_353 = arith.constant 0 : index
        %swap3A_354 = tpu.vector_load %arg10[%swap3A_352, %swap3A_353] {strides = array<i32>} : memref<80x64xf32, #tpu.memory_space<vmem>>, vector<1x16xf32>,
        %swap3A_355 = vector.shape_cast %swap3A_354 : vector<1x16xf32> to vector<16xf32>
        %swap3A_356 = vector.shape_cast %mul3A_351 : vector<16xf32> to vector<1x16xf32>
        tpu.vector_store %arg10[%swap3A_352, %swap3A_353], %swap3A_356 {strides = array<i32>} : memref<80x64xf32, #tpu.memory_space<vmem>>, vector<1x16xf32>,
        %get3A_357 = arith.index_cast %add3A_346 : i32 to index
        %get3A_358 = arith.constant 16 : index
        %get3A_359 = tpu.vector_load %arg10[%get3A_357, %get3A_358] {strides = array<i32>} : memref<80x64xf32, #tpu.memory_space<vmem>>, vector<1x16xf32>,
        %get3A_360 = vector.shape_cast %get3A_359 : vector<1x16xf32> to vector<16xf32>
        %mul3A_361 = arith.mulf %get3A_360, %gather3A_342 : vector<16xf32>
        %swap3A_362 = arith.index_cast %add3A_346 : i32 to index
        %swap3A_363 = arith.constant 16 : index
        %swap3A_364 = tpu.vector_load %arg10[%swap3A_362, %swap3A_363] {strides = array<i32>} : memref<80x64xf32, #tpu.memory_space<vmem>>, vector<1x16xf32>,
        %swap3A_365 = vector.shape_cast %swap3A_364 : vector<1x16xf32> to vector<16xf32>
        %swap3A_366 = vector.shape_cast %mul3A_361 : vector<16xf32> to vector<1x16xf32>
        tpu.vector_store %arg10[%swap3A_362, %swap3A_363], %swap3A_366 {strides = array<i32>} : memref<80x64xf32, #tpu.memory_space<vmem>>, vector<1x16xf32>,
        %get3A_367 = arith.index_cast %add3A_346 : i32 to index
        %get3A_368 = arith.constant 32 : index
        %get3A_369 = tpu.vector_load %arg10[%get3A_367, %get3A_368] {strides = array<i32>} : memref<80x64xf32, #tpu.memory_space<vmem>>, vector<1x16xf32>,
        %get3A_370 = vector.shape_cast %get3A_369 : vector<1x16xf32> to vector<16xf32>
        %mul3A_371 = arith.mulf %get3A_370, %gather3A_342 : vector<16xf32>
        %swap3A_372 = arith.index_cast %add3A_346 : i32 to index
        %swap3A_373 = arith.constant 32 : index
        %swap3A_374 = tpu.vector_load %arg10[%swap3A_372, %swap3A_373] {strides = array<i32>} : memref<80x64xf32, #tpu.memory_space<vmem>>, vector<1x16xf32>,
        %swap3A_375 = vector.shape_cast %swap3A_374 : vector<1x16xf32> to vector<16xf32>
        %swap3A_376 = vector.shape_cast %mul3A_371 : vector<16xf32> to vector<1x16xf32>
        tpu.vector_store %arg10[%swap3A_372, %swap3A_373], %swap3A_376 {strides = array<i32>} : memref<80x64xf32, #tpu.memory_space<vmem>>, vector<1x16xf32>,
        %get3A_377 = arith.index_cast %add3A_346 : i32 to index
        %get3A_378 = arith.constant 48 : index
        %get3A_379 = tpu.vector_load %arg10[%get3A_377, %get3A_378] {strides = array<i32>} : memref<80x64xf32, #tpu.memory_space<vmem>>, vector<1x16xf32>,
        %get3A_380 = vector.shape_cast %get3A_379 : vector<1x16xf32> to vector<16xf32>
        %mul3A_381 = arith.mulf %get3A_380, %gather3A_342 : vector<16xf32>
        %swap3A_382 = arith.index_cast %add3A_346 : i32 to index
        %swap3A_383 = arith.constant 48 : index
        %swap3A_384 = tpu.vector_load %arg10[%swap3A_382, %swap3A_383] {strides = array<i32>} : memref<80x64xf32, #tpu.memory_space<vmem>>, vector<1x16xf32>,
        %swap3A_385 = vector.shape_cast %swap3A_384 : vector<1x16xf32> to vector<16xf32>
        %swap3A_386 = vector.shape_cast %mul3A_381 : vector<16xf32> to vector<1x16xf32>
        tpu.vector_store %arg10[%swap3A_382, %swap3A_383], %swap3A_386 {strides = array<i32>} : memref<80x64xf32, #tpu.memory_space<vmem>>, vector<1x16xf32>,
        %broadcast_in_dim3A_387 = arith.constant 6 : i32
        %broadcast_in_dim3A_388 = vector.broadcast %broadcast_in_dim3A_387 : i32 to vector<16xi32>
        %lt3A_389 = arith.constant 0 : i32
        %lt3A_390 = vector.broadcast %lt3A_389 : i32 to vector<16xi32>
        %lt3A_391 = arith.cmpi slt, %broadcast_in_dim3A_388, %lt3A_390 : vector<16xi32>
        %add3A_392 = arith.constant 16 : i32
        %add3A_393 = vector.broadcast %add3A_392 : i32 to vector<16xi32>
        %add3A_394 = arith.addi %broadcast_in_dim3A_388, %add3A_393 : vector<16xi32>
        %select_n3A_395 = arith.select %lt3A_391, %add3A_394, %broadcast_in_dim3A_388 : vector<16xi1>, vector<16xi32>
        %broadcast_in_dim3A_396 = vector.shape_cast %select_n3A_395 : vector<16xi32> to vector<16x1xi32>
        %gather3A_397 = vector.shape_cast %broadcast_in_dim3A_396 : vector<16x1xi32> to vector<16xi32>
        %gather3A_398 = tpu.dynamic_gather %get3A_54[%gather3A_397] in [0] : vector<16xf32>, vector<16xi32> -> vector<16xf32>
        %mul3A_399 = arith.constant 16 : i32
        %mul3A_400 = arith.muli %scan3A_49, %mul3A_399 : i32
        %add3A_401 = arith.constant 6 : i32
        %add3A_402 = arith.addi %mul3A_400, %add3A_401 : i32
        %get3A_403 = arith.index_cast %add3A_402 : i32 to index
        %get3A_404 = arith.constant 0 : index
        %get3A_405 = tpu.vector_load %arg10[%get3A_403, %get3A_404] {strides = array<i32>} : memref<80x64xf32, #tpu.memory_space<vmem>>, vector<1x16xf32>,
        %get3A_406 = vector.shape_cast %get3A_405 : vector<1x16xf32> to vector<16xf32>
        %mul3A_407 = arith.mulf %get3A_406, %gather3A_398 : vector<16xf32>
        %swap3A_408 = arith.index_cast %add3A_402 : i32 to index
        %swap3A_409 = arith.constant 0 : index
        %swap3A_410 = tpu.vector_load %arg10[%swap3A_408, %swap3A_409] {strides = array<i32>} : memref<80x64xf32, #tpu.memory_space<vmem>>, vector<1x16xf32>,
        %swap3A_411 = vector.shape_cast %swap3A_410 : vector<1x16xf32> to vector<16xf32>
        %swap3A_412 = vector.shape_cast %mul3A_407 : vector<16xf32> to vector<1x16xf32>
        tpu.vector_store %arg10[%swap3A_408, %swap3A_409], %swap3A_412 {strides = array<i32>} : memref<80x64xf32, #tpu.memory_space<vmem>>, vector<1x16xf32>,
        %get3A_413 = arith.index_cast %add3A_402 : i32 to index
        %get3A_414 = arith.constant 16 : index
        %get3A_415 = tpu.vector_load %arg10[%get3A_413, %get3A_414] {strides = array<i32>} : memref<80x64xf32, #tpu.memory_space<vmem>>, vector<1x16xf32>,
        %get3A_416 = vector.shape_cast %get3A_415 : vector<1x16xf32> to vector<16xf32>
        %mul3A_417 = arith.mulf %get3A_416, %gather3A_398 : vector<16xf32>
        %swap3A_418 = arith.index_cast %add3A_402 : i32 to index
        %swap3A_419 = arith.constant 16 : index
        %swap3A_420 = tpu.vector_load %arg10[%swap3A_418, %swap3A_419] {strides = array<i32>} : memref<80x64xf32, #tpu.memory_space<vmem>>, vector<1x16xf32>,
        %swap3A_421 = vector.shape_cast %swap3A_420 : vector<1x16xf32> to vector<16xf32>
        %swap3A_422 = vector.shape_cast %mul3A_417 : vector<16xf32> to vector<1x16xf32>
        tpu.vector_store %arg10[%swap3A_418, %swap3A_419], %swap3A_422 {strides = array<i32>} : memref<80x64xf32, #tpu.memory_space<vmem>>, vector<1x16xf32>,
        %get3A_423 = arith.index_cast %add3A_402 : i32 to index
        %get3A_424 = arith.constant 32 : index
        %get3A_425 = tpu.vector_load %arg10[%get3A_423, %get3A_424] {strides = array<i32>} : memref<80x64xf32, #tpu.memory_space<vmem>>, vector<1x16xf32>,
        %get3A_426 = vector.shape_cast %get3A_425 : vector<1x16xf32> to vector<16xf32>
        %mul3A_427 = arith.mulf %get3A_426, %gather3A_398 : vector<16xf32>
        %swap3A_428 = arith.index_cast %add3A_402 : i32 to index
        %swap3A_429 = arith.constant 32 : index
        %swap3A_430 = tpu.vector_load %arg10[%swap3A_428, %swap3A_429] {strides = array<i32>} : memref<80x64xf32, #tpu.memory_space<vmem>>, vector<1x16xf32>,
        %swap3A_431 = vector.shape_cast %swap3A_430 : vector<1x16xf32> to vector<16xf32>
        %swap3A_432 = vector.shape_cast %mul3A_427 : vector<16xf32> to vector<1x16xf32>
        tpu.vector_store %arg10[%swap3A_428, %swap3A_429], %swap3A_432 {strides = array<i32>} : memref<80x64xf32, #tpu.memory_space<vmem>>, vector<1x16xf32>,
        %get3A_433 = arith.index_cast %add3A_402 : i32 to index
        %get3A_434 = arith.constant 48 : index
        %get3A_435 = tpu.vector_load %arg10[%get3A_433, %get3A_434] {strides = array<i32>} : memref<80x64xf32, #tpu.memory_space<vmem>>, vector<1x16xf32>,
        %get3A_436 = vector.shape_cast %get3A_435 : vector<1x16xf32> to vector<16xf32>
        %mul3A_437 = arith.mulf %get3A_436, %gather3A_398 : vector<16xf32>
        %swap3A_438 = arith.index_cast %add3A_402 : i32 to index
        %swap3A_439 = arith.constant 48 : index
        %swap3A_440 = tpu.vector_load %arg10[%swap3A_438, %swap3A_439] {strides = array<i32>} : memref<80x64xf32, #tpu.memory_space<vmem>>, vector<1x16xf32>,
        %swap3A_441 = vector.shape_cast %swap3A_440 : vector<1x16xf32> to vector<16xf32>
        %swap3A_442 = vector.shape_cast %mul3A_437 : vector<16xf32> to vector<1x16xf32>
        tpu.vector_store %arg10[%swap3A_438, %swap3A_439], %swap3A_442 {strides = array<i32>} : memref<80x64xf32, #tpu.memory_space<vmem>>, vector<1x16xf32>,
        %broadcast_in_dim3A_443 = arith.constant 7 : i32
        %broadcast_in_dim3A_444 = vector.broadcast %broadcast_in_dim3A_443 : i32 to vector<16xi32>
        %lt3A_445 = arith.constant 0 : i32
        %lt3A_446 = vector.broadcast %lt3A_445 : i32 to vector<16xi32>
        %lt3A_447 = arith.cmpi slt, %broadcast_in_dim3A_444, %lt3A_446 : vector<16xi32>
        %add3A_448 = arith.constant 16 : i32
        %add3A_449 = vector.broadcast %add3A_448 : i32 to vector<16xi32>
        %add3A_450 = arith.addi %broadcast_in_dim3A_444, %add3A_449 : vector<16xi32>
        %select_n3A_451 = arith.select %lt3A_447, %add3A_450, %broadcast_in_dim3A_444 : vector<16xi1>, vector<16xi32>
        %broadcast_in_dim3A_452 = vector.shape_cast %select_n3A_451 : vector<16xi32> to vector<16x1xi32>
        %gather3A_453 = vector.shape_cast %broadcast_in_dim3A_452 : vector<16x1xi32> to vector<16xi32>
        %gather3A_454 = tpu.dynamic_gather %get3A_54[%gather3A_453] in [0] : vector<16xf32>, vector<16xi32> -> vector<16xf32>
        %mul3A_455 = arith.constant 16 : i32
        %mul3A_456 = arith.muli %scan3A_49, %mul3A_455 : i32
        %add3A_457 = arith.constant 7 : i32
        %add3A_458 = arith.addi %mul3A_456, %add3A_457 : i32
        %get3A_459 = arith.index_cast %add3A_458 : i32 to index
        %get3A_460 = arith.constant 0 : index
        %get3A_461 = tpu.vector_load %arg10[%get3A_459, %get3A_460] {strides = array<i32>} : memref<80x64xf32, #tpu.memory_space<vmem>>, vector<1x16xf32>,
        %get3A_462 = vector.shape_cast %get3A_461 : vector<1x16xf32> to vector<16xf32>
        %mul3A_463 = arith.mulf %get3A_462, %gather3A_454 : vector<16xf32>
        %swap3A_464 = arith.index_cast %add3A_458 : i32 to index
        %swap3A_465 = arith.constant 0 : index
        %swap3A_466 = tpu.vector_load %arg10[%swap3A_464, %swap3A_465] {strides = array<i32>} : memref<80x64xf32, #tpu.memory_space<vmem>>, vector<1x16xf32>,
        %swap3A_467 = vector.shape_cast %swap3A_466 : vector<1x16xf32> to vector<16xf32>
        %swap3A_468 = vector.shape_cast %mul3A_463 : vector<16xf32> to vector<1x16xf32>
        tpu.vector_store %arg10[%swap3A_464, %swap3A_465], %swap3A_468 {strides = array<i32>} : memref<80x64xf32, #tpu.memory_space<vmem>>, vector<1x16xf32>,
        %get3A_469 = arith.index_cast %add3A_458 : i32 to index
        %get3A_470 = arith.constant 16 : index
        %get3A_471 = tpu.vector_load %arg10[%get3A_469, %get3A_470] {strides = array<i32>} : memref<80x64xf32, #tpu.memory_space<vmem>>, vector<1x16xf32>,
        %get3A_472 = vector.shape_cast %get3A_471 : vector<1x16xf32> to vector<16xf32>
        %mul3A_473 = arith.mulf %get3A_472, %gather3A_454 : vector<16xf32>
        %swap3A_474 = arith.index_cast %add3A_458 : i32 to index
        %swap3A_475 = arith.constant 16 : index
        %swap3A_476 = tpu.vector_load %arg10[%swap3A_474, %swap3A_475] {strides = array<i32>} : memref<80x64xf32, #tpu.memory_space<vmem>>, vector<1x16xf32>,
        %swap3A_477 = vector.shape_cast %swap3A_476 : vector<1x16xf32> to vector<16xf32>
        %swap3A_478 = vector.shape_cast %mul3A_473 : vector<16xf32> to vector<1x16xf32>
        tpu.vector_store %arg10[%swap3A_474, %swap3A_475], %swap3A_478 {strides = array<i32>} : memref<80x64xf32, #tpu.memory_space<vmem>>, vector<1x16xf32>,
        %get3A_479 = arith.index_cast %add3A_458 : i32 to index
        %get3A_480 = arith.constant 32 : index
        %get3A_481 = tpu.vector_load %arg10[%get3A_479, %get3A_480] {strides = array<i32>} : memref<80x64xf32, #tpu.memory_space<vmem>>, vector<1x16xf32>,
        %get3A_482 = vector.shape_cast %get3A_481 : vector<1x16xf32> to vector<16xf32>
        %mul3A_483 = arith.mulf %get3A_482, %gather3A_454 : vector<16xf32>
        %swap3A_484 = arith.index_cast %add3A_458 : i32 to index
        %swap3A_485 = arith.constant 32 : index
        %swap3A_486 = tpu.vector_load %arg10[%swap3A_484, %swap3A_485] {strides = array<i32>} : memref<80x64xf32, #tpu.memory_space<vmem>>, vector<1x16xf32>,
        %swap3A_487 = vector.shape_cast %swap3A_486 : vector<1x16xf32> to vector<16xf32>
        %swap3A_488 = vector.shape_cast %mul3A_483 : vector<16xf32> to vector<1x16xf32>
        tpu.vector_store %arg10[%swap3A_484, %swap3A_485], %swap3A_488 {strides = array<i32>} : memref<80x64xf32, #tpu.memory_space<vmem>>, vector<1x16xf32>,
        %get3A_489 = arith.index_cast %add3A_458 : i32 to index
        %get3A_490 = arith.constant 48 : index
        %get3A_491 = tpu.vector_load %arg10[%get3A_489, %get3A_490] {strides = array<i32>} : memref<80x64xf32, #tpu.memory_space<vmem>>, vector<1x16xf32>,
        %get3A_492 = vector.shape_cast %get3A_491 : vector<1x16xf32> to vector<16xf32>
        %mul3A_493 = arith.mulf %get3A_492, %gather3A_454 : vector<16xf32>
        %swap3A_494 = arith.index_cast %add3A_458 : i32 to index
        %swap3A_495 = arith.constant 48 : index
        %swap3A_496 = tpu.vector_load %arg10[%swap3A_494, %swap3A_495] {strides = array<i32>} : memref<80x64xf32, #tpu.memory_space<vmem>>, vector<1x16xf32>,
        %swap3A_497 = vector.shape_cast %swap3A_496 : vector<1x16xf32> to vector<16xf32>
        %swap3A_498 = vector.shape_cast %mul3A_493 : vector<16xf32> to vector<1x16xf32>
        tpu.vector_store %arg10[%swap3A_494, %swap3A_495], %swap3A_498 {strides = array<i32>} : memref<80x64xf32, #tpu.memory_space<vmem>>, vector<1x16xf32>,
        %broadcast_in_dim3A_499 = arith.constant 8 : i32
        %broadcast_in_dim3A_500 = vector.broadcast %broadcast_in_dim3A_499 : i32 to vector<16xi32>
        %lt3A_501 = arith.constant 0 : i32
        %lt3A_502 = vector.broadcast %lt3A_501 : i32 to vector<16xi32>
        %lt3A_503 = arith.cmpi slt, %broadcast_in_dim3A_500, %lt3A_502 : vector<16xi32>
        %add3A_504 = arith.constant 16 : i32
        %add3A_505 = vector.broadcast %add3A_504 : i32 to vector<16xi32>
        %add3A_506 = arith.addi %broadcast_in_dim3A_500, %add3A_505 : vector<16xi32>
        %select_n3A_507 = arith.select %lt3A_503, %add3A_506, %broadcast_in_dim3A_500 : vector<16xi1>, vector<16xi32>
        %broadcast_in_dim3A_508 = vector.shape_cast %select_n3A_507 : vector<16xi32> to vector<16x1xi32>
        %gather3A_509 = vector.shape_cast %broadcast_in_dim3A_508 : vector<16x1xi32> to vector<16xi32>
        %gather3A_510 = tpu.dynamic_gather %get3A_54[%gather3A_509] in [0] : vector<16xf32>, vector<16xi32> -> vector<16xf32>
        %mul3A_511 = arith.constant 16 : i32
        %mul3A_512 = arith.muli %scan3A_49, %mul3A_511 : i32
        %add3A_513 = arith.constant 8 : i32
        %add3A_514 = arith.addi %mul3A_512, %add3A_513 : i32
        %get3A_515 = arith.index_cast %add3A_514 : i32 to index
        %get3A_516 = arith.constant 0 : index
        %get3A_517 = tpu.vector_load %arg10[%get3A_515, %get3A_516] {strides = array<i32>} : memref<80x64xf32, #tpu.memory_space<vmem>>, vector<1x16xf32>,
        %get3A_518 = vector.shape_cast %get3A_517 : vector<1x16xf32> to vector<16xf32>
        %mul3A_519 = arith.mulf %get3A_518, %gather3A_510 : vector<16xf32>
        %swap3A_520 = arith.index_cast %add3A_514 : i32 to index
        %swap3A_521 = arith.constant 0 : index
        %swap3A_522 = tpu.vector_load %arg10[%swap3A_520, %swap3A_521] {strides = array<i32>} : memref<80x64xf32, #tpu.memory_space<vmem>>, vector<1x16xf32>,
        %swap3A_523 = vector.shape_cast %swap3A_522 : vector<1x16xf32> to vector<16xf32>
        %swap3A_524 = vector.shape_cast %mul3A_519 : vector<16xf32> to vector<1x16xf32>
        tpu.vector_store %arg10[%swap3A_520, %swap3A_521], %swap3A_524 {strides = array<i32>} : memref<80x64xf32, #tpu.memory_space<vmem>>, vector<1x16xf32>,
        %get3A_525 = arith.index_cast %add3A_514 : i32 to index
        %get3A_526 = arith.constant 16 : index
        %get3A_527 = tpu.vector_load %arg10[%get3A_525, %get3A_526] {strides = array<i32>} : memref<80x64xf32, #tpu.memory_space<vmem>>, vector<1x16xf32>,
        %get3A_528 = vector.shape_cast %get3A_527 : vector<1x16xf32> to vector<16xf32>
        %mul3A_529 = arith.mulf %get3A_528, %gather3A_510 : vector<16xf32>
        %swap3A_530 = arith.index_cast %add3A_514 : i32 to index
        %swap3A_531 = arith.constant 16 : index
        %swap3A_532 = tpu.vector_load %arg10[%swap3A_530, %swap3A_531] {strides = array<i32>} : memref<80x64xf32, #tpu.memory_space<vmem>>, vector<1x16xf32>,
        %swap3A_533 = vector.shape_cast %swap3A_532 : vector<1x16xf32> to vector<16xf32>
        %swap3A_534 = vector.shape_cast %mul3A_529 : vector<16xf32> to vector<1x16xf32>
        tpu.vector_store %arg10[%swap3A_530, %swap3A_531], %swap3A_534 {strides = array<i32>} : memref<80x64xf32, #tpu.memory_space<vmem>>, vector<1x16xf32>,
        %get3A_535 = arith.index_cast %add3A_514 : i32 to index
        %get3A_536 = arith.constant 32 : index
        %get3A_537 = tpu.vector_load %arg10[%get3A_535, %get3A_536] {strides = array<i32>} : memref<80x64xf32, #tpu.memory_space<vmem>>, vector<1x16xf32>,
        %get3A_538 = vector.shape_cast %get3A_537 : vector<1x16xf32> to vector<16xf32>
        %mul3A_539 = arith.mulf %get3A_538, %gather3A_510 : vector<16xf32>
        %swap3A_540 = arith.index_cast %add3A_514 : i32 to index
        %swap3A_541 = arith.constant 32 : index
        %swap3A_542 = tpu.vector_load %arg10[%swap3A_540, %swap3A_541] {strides = array<i32>} : memref<80x64xf32, #tpu.memory_space<vmem>>, vector<1x16xf32>,
        %swap3A_543 = vector.shape_cast %swap3A_542 : vector<1x16xf32> to vector<16xf32>
        %swap3A_544 = vector.shape_cast %mul3A_539 : vector<16xf32> to vector<1x16xf32>
        tpu.vector_store %arg10[%swap3A_540, %swap3A_541], %swap3A_544 {strides = array<i32>} : memref<80x64xf32, #tpu.memory_space<vmem>>, vector<1x16xf32>,
        %get3A_545 = arith.index_cast %add3A_514 : i32 to index
        %get3A_546 = arith.constant 48 : index
        %get3A_547 = tpu.vector_load %arg10[%get3A_545, %get3A_546] {strides = array<i32>} : memref<80x64xf32, #tpu.memory_space<vmem>>, vector<1x16xf32>,
        %get3A_548 = vector.shape_cast %get3A_547 : vector<1x16xf32> to vector<16xf32>
        %mul3A_549 = arith.mulf %get3A_548, %gather3A_510 : vector<16xf32>
        %swap3A_550 = arith.index_cast %add3A_514 : i32 to index
        %swap3A_551 = arith.constant 48 : index
        %swap3A_552 = tpu.vector_load %arg10[%swap3A_550, %swap3A_551] {strides = array<i32>} : memref<80x64xf32, #tpu.memory_space<vmem>>, vector<1x16xf32>,
        %swap3A_553 = vector.shape_cast %swap3A_552 : vector<1x16xf32> to vector<16xf32>
        %swap3A_554 = vector.shape_cast %mul3A_549 : vector<16xf32> to vector<1x16xf32>
        tpu.vector_store %arg10[%swap3A_550, %swap3A_551], %swap3A_554 {strides = array<i32>} : memref<80x64xf32, #tpu.memory_space<vmem>>, vector<1x16xf32>,
        %broadcast_in_dim3A_555 = arith.constant 9 : i32
        %broadcast_in_dim3A_556 = vector.broadcast %broadcast_in_dim3A_555 : i32 to vector<16xi32>
        %lt3A_557 = arith.constant 0 : i32
        %lt3A_558 = vector.broadcast %lt3A_557 : i32 to vector<16xi32>
        %lt3A_559 = arith.cmpi slt, %broadcast_in_dim3A_556, %lt3A_558 : vector<16xi32>
        %add3A_560 = arith.constant 16 : i32
        %add3A_561 = vector.broadcast %add3A_560 : i32 to vector<16xi32>
        %add3A_562 = arith.addi %broadcast_in_dim3A_556, %add3A_561 : vector<16xi32>
        %select_n3A_563 = arith.select %lt3A_559, %add3A_562, %broadcast_in_dim3A_556 : vector<16xi1>, vector<16xi32>
        %broadcast_in_dim3A_564 = vector.shape_cast %select_n3A_563 : vector<16xi32> to vector<16x1xi32>
        %gather3A_565 = vector.shape_cast %broadcast_in_dim3A_564 : vector<16x1xi32> to vector<16xi32>
        %gather3A_566 = tpu.dynamic_gather %get3A_54[%gather3A_565] in [0] : vector<16xf32>, vector<16xi32> -> vector<16xf32>
        %mul3A_567 = arith.constant 16 : i32
        %mul3A_568 = arith.muli %scan3A_49, %mul3A_567 : i32
        %add3A_569 = arith.constant 9 : i32
        %add3A_570 = arith.addi %mul3A_568, %add3A_569 : i32
        %get3A_571 = arith.index_cast %add3A_570 : i32 to index
        %get3A_572 = arith.constant 0 : index
        %get3A_573 = tpu.vector_load %arg10[%get3A_571, %get3A_572] {strides = array<i32>} : memref<80x64xf32, #tpu.memory_space<vmem>>, vector<1x16xf32>,
        %get3A_574 = vector.shape_cast %get3A_573 : vector<1x16xf32> to vector<16xf32>
        %mul3A_575 = arith.mulf %get3A_574, %gather3A_566 : vector<16xf32>
        %swap3A_576 = arith.index_cast %add3A_570 : i32 to index
        %swap3A_577 = arith.constant 0 : index
        %swap3A_578 = tpu.vector_load %arg10[%swap3A_576, %swap3A_577] {strides = array<i32>} : memref<80x64xf32, #tpu.memory_space<vmem>>, vector<1x16xf32>,
        %swap3A_579 = vector.shape_cast %swap3A_578 : vector<1x16xf32> to vector<16xf32>
        %swap3A_580 = vector.shape_cast %mul3A_575 : vector<16xf32> to vector<1x16xf32>
        tpu.vector_store %arg10[%swap3A_576, %swap3A_577], %swap3A_580 {strides = array<i32>} : memref<80x64xf32, #tpu.memory_space<vmem>>, vector<1x16xf32>,
        %get3A_581 = arith.index_cast %add3A_570 : i32 to index
        %get3A_582 = arith.constant 16 : index
        %get3A_583 = tpu.vector_load %arg10[%get3A_581, %get3A_582] {strides = array<i32>} : memref<80x64xf32, #tpu.memory_space<vmem>>, vector<1x16xf32>,
        %get3A_584 = vector.shape_cast %get3A_583 : vector<1x16xf32> to vector<16xf32>
        %mul3A_585 = arith.mulf %get3A_584, %gather3A_566 : vector<16xf32>
        %swap3A_586 = arith.index_cast %add3A_570 : i32 to index
        %swap3A_587 = arith.constant 16 : index
        %swap3A_588 = tpu.vector_load %arg10[%swap3A_586, %swap3A_587] {strides = array<i32>} : memref<80x64xf32, #tpu.memory_space<vmem>>, vector<1x16xf32>,
        %swap3A_589 = vector.shape_cast %swap3A_588 : vector<1x16xf32> to vector<16xf32>
        %swap3A_590 = vector.shape_cast %mul3A_585 : vector<16xf32> to vector<1x16xf32>
        tpu.vector_store %arg10[%swap3A_586, %swap3A_587], %swap3A_590 {strides = array<i32>} : memref<80x64xf32, #tpu.memory_space<vmem>>, vector<1x16xf32>,
        %get3A_591 = arith.index_cast %add3A_570 : i32 to index
        %get3A_592 = arith.constant 32 : index
        %get3A_593 = tpu.vector_load %arg10[%get3A_591, %get3A_592] {strides = array<i32>} : memref<80x64xf32, #tpu.memory_space<vmem>>, vector<1x16xf32>,
        %get3A_594 = vector.shape_cast %get3A_593 : vector<1x16xf32> to vector<16xf32>
        %mul3A_595 = arith.mulf %get3A_594, %gather3A_566 : vector<16xf32>
        %swap3A_596 = arith.index_cast %add3A_570 : i32 to index
        %swap3A_597 = arith.constant 32 : index
        %swap3A_598 = tpu.vector_load %arg10[%swap3A_596, %swap3A_597] {strides = array<i32>} : memref<80x64xf32, #tpu.memory_space<vmem>>, vector<1x16xf32>,
        %swap3A_599 = vector.shape_cast %swap3A_598 : vector<1x16xf32> to vector<16xf32>
        %swap3A_600 = vector.shape_cast %mul3A_595 : vector<16xf32> to vector<1x16xf32>
        tpu.vector_store %arg10[%swap3A_596, %swap3A_597], %swap3A_600 {strides = array<i32>} : memref<80x64xf32, #tpu.memory_space<vmem>>, vector<1x16xf32>,
        %get3A_601 = arith.index_cast %add3A_570 : i32 to index
        %get3A_602 = arith.constant 48 : index
        %get3A_603 = tpu.vector_load %arg10[%get3A_601, %get3A_602] {strides = array<i32>} : memref<80x64xf32, #tpu.memory_space<vmem>>, vector<1x16xf32>,
        %get3A_604 = vector.shape_cast %get3A_603 : vector<1x16xf32> to vector<16xf32>
        %mul3A_605 = arith.mulf %get3A_604, %gather3A_566 : vector<16xf32>
        %swap3A_606 = arith.index_cast %add3A_570 : i32 to index
        %swap3A_607 = arith.constant 48 : index
        %swap3A_608 = tpu.vector_load %arg10[%swap3A_606, %swap3A_607] {strides = array<i32>} : memref<80x64xf32, #tpu.memory_space<vmem>>, vector<1x16xf32>,
        %swap3A_609 = vector.shape_cast %swap3A_608 : vector<1x16xf32> to vector<16xf32>
        %swap3A_610 = vector.shape_cast %mul3A_605 : vector<16xf32> to vector<1x16xf32>
        tpu.vector_store %arg10[%swap3A_606, %swap3A_607], %swap3A_610 {strides = array<i32>} : memref<80x64xf32, #tpu.memory_space<vmem>>, vector<1x16xf32>,
        %broadcast_in_dim3A_611 = arith.constant 10 : i32
        %broadcast_in_dim3A_612 = vector.broadcast %broadcast_in_dim3A_611 : i32 to vector<16xi32>
        %lt3A_613 = arith.constant 0 : i32
        %lt3A_614 = vector.broadcast %lt3A_613 : i32 to vector<16xi32>
        %lt3A_615 = arith.cmpi slt, %broadcast_in_dim3A_612, %lt3A_614 : vector<16xi32>
        %add3A_616 = arith.constant 16 : i32
        %add3A_617 = vector.broadcast %add3A_616 : i32 to vector<16xi32>
        %add3A_618 = arith.addi %broadcast_in_dim3A_612, %add3A_617 : vector<16xi32>
        %select_n3A_619 = arith.select %lt3A_615, %add3A_618, %broadcast_in_dim3A_612 : vector<16xi1>, vector<16xi32>
        %broadcast_in_dim3A_620 = vector.shape_cast %select_n3A_619 : vector<16xi32> to vector<16x1xi32>
        %gather3A_621 = vector.shape_cast %broadcast_in_dim3A_620 : vector<16x1xi32> to vector<16xi32>
        %gather3A_622 = tpu.dynamic_gather %get3A_54[%gather3A_621] in [0] : vector<16xf32>, vector<16xi32> -> vector<16xf32>
        %mul3A_623 = arith.constant 16 : i32
        %mul3A_624 = arith.muli %scan3A_49, %mul3A_623 : i32
        %add3A_625 = arith.constant 10 : i32
        %add3A_626 = arith.addi %mul3A_624, %add3A_625 : i32
        %get3A_627 = arith.index_cast %add3A_626 : i32 to index
        %get3A_628 = arith.constant 0 : index
        %get3A_629 = tpu.vector_load %arg10[%get3A_627, %get3A_628] {strides = array<i32>} : memref<80x64xf32, #tpu.memory_space<vmem>>, vector<1x16xf32>,
        %get3A_630 = vector.shape_cast %get3A_629 : vector<1x16xf32> to vector<16xf32>
        %mul3A_631 = arith.mulf %get3A_630, %gather3A_622 : vector<16xf32>
        %swap3A_632 = arith.index_cast %add3A_626 : i32 to index
        %swap3A_633 = arith.constant 0 : index
        %swap3A_634 = tpu.vector_load %arg10[%swap3A_632, %swap3A_633] {strides = array<i32>} : memref<80x64xf32, #tpu.memory_space<vmem>>, vector<1x16xf32>,
        %swap3A_635 = vector.shape_cast %swap3A_634 : vector<1x16xf32> to vector<16xf32>
        %swap3A_636 = vector.shape_cast %mul3A_631 : vector<16xf32> to vector<1x16xf32>
        tpu.vector_store %arg10[%swap3A_632, %swap3A_633], %swap3A_636 {strides = array<i32>} : memref<80x64xf32, #tpu.memory_space<vmem>>, vector<1x16xf32>,
        %get3A_637 = arith.index_cast %add3A_626 : i32 to index
        %get3A_638 = arith.constant 16 : index
        %get3A_639 = tpu.vector_load %arg10[%get3A_637, %get3A_638] {strides = array<i32>} : memref<80x64xf32, #tpu.memory_space<vmem>>, vector<1x16xf32>,
        %get3A_640 = vector.shape_cast %get3A_639 : vector<1x16xf32> to vector<16xf32>
        %mul3A_641 = arith.mulf %get3A_640, %gather3A_622 : vector<16xf32>
        %swap3A_642 = arith.index_cast %add3A_626 : i32 to index
        %swap3A_643 = arith.constant 16 : index
        %swap3A_644 = tpu.vector_load %arg10[%swap3A_642, %swap3A_643] {strides = array<i32>} : memref<80x64xf32, #tpu.memory_space<vmem>>, vector<1x16xf32>,
        %swap3A_645 = vector.shape_cast %swap3A_644 : vector<1x16xf32> to vector<16xf32>
        %swap3A_646 = vector.shape_cast %mul3A_641 : vector<16xf32> to vector<1x16xf32>
        tpu.vector_store %arg10[%swap3A_642, %swap3A_643], %swap3A_646 {strides = array<i32>} : memref<80x64xf32, #tpu.memory_space<vmem>>, vector<1x16xf32>,
        %get3A_647 = arith.index_cast %add3A_626 : i32 to index
        %get3A_648 = arith.constant 32 : index
        %get3A_649 = tpu.vector_load %arg10[%get3A_647, %get3A_648] {strides = array<i32>} : memref<80x64xf32, #tpu.memory_space<vmem>>, vector<1x16xf32>,
        %get3A_650 = vector.shape_cast %get3A_649 : vector<1x16xf32> to vector<16xf32>
        %mul3A_651 = arith.mulf %get3A_650, %gather3A_622 : vector<16xf32>
        %swap3A_652 = arith.index_cast %add3A_626 : i32 to index
        %swap3A_653 = arith.constant 32 : index
        %swap3A_654 = tpu.vector_load %arg10[%swap3A_652, %swap3A_653] {strides = array<i32>} : memref<80x64xf32, #tpu.memory_space<vmem>>, vector<1x16xf32>,
        %swap3A_655 = vector.shape_cast %swap3A_654 : vector<1x16xf32> to vector<16xf32>
        %swap3A_656 = vector.shape_cast %mul3A_651 : vector<16xf32> to vector<1x16xf32>
        tpu.vector_store %arg10[%swap3A_652, %swap3A_653], %swap3A_656 {strides = array<i32>} : memref<80x64xf32, #tpu.memory_space<vmem>>, vector<1x16xf32>,
        %get3A_657 = arith.index_cast %add3A_626 : i32 to index
        %get3A_658 = arith.constant 48 : index
        %get3A_659 = tpu.vector_load %arg10[%get3A_657, %get3A_658] {strides = array<i32>} : memref<80x64xf32, #tpu.memory_space<vmem>>, vector<1x16xf32>,
        %get3A_660 = vector.shape_cast %get3A_659 : vector<1x16xf32> to vector<16xf32>
        %mul3A_661 = arith.mulf %get3A_660, %gather3A_622 : vector<16xf32>
        %swap3A_662 = arith.index_cast %add3A_626 : i32 to index
        %swap3A_663 = arith.constant 48 : index
        %swap3A_664 = tpu.vector_load %arg10[%swap3A_662, %swap3A_663] {strides = array<i32>} : memref<80x64xf32, #tpu.memory_space<vmem>>, vector<1x16xf32>,
        %swap3A_665 = vector.shape_cast %swap3A_664 : vector<1x16xf32> to vector<16xf32>
        %swap3A_666 = vector.shape_cast %mul3A_661 : vector<16xf32> to vector<1x16xf32>
        tpu.vector_store %arg10[%swap3A_662, %swap3A_663], %swap3A_666 {strides = array<i32>} : memref<80x64xf32, #tpu.memory_space<vmem>>, vector<1x16xf32>,
        %broadcast_in_dim3A_667 = arith.constant 11 : i32
        %broadcast_in_dim3A_668 = vector.broadcast %broadcast_in_dim3A_667 : i32 to vector<16xi32>
        %lt3A_669 = arith.constant 0 : i32
        %lt3A_670 = vector.broadcast %lt3A_669 : i32 to vector<16xi32>
        %lt3A_671 = arith.cmpi slt, %broadcast_in_dim3A_668, %lt3A_670 : vector<16xi32>
        %add3A_672 = arith.constant 16 : i32
        %add3A_673 = vector.broadcast %add3A_672 : i32 to vector<16xi32>
        %add3A_674 = arith.addi %broadcast_in_dim3A_668, %add3A_673 : vector<16xi32>
        %select_n3A_675 = arith.select %lt3A_671, %add3A_674, %broadcast_in_dim3A_668 : vector<16xi1>, vector<16xi32>
        %broadcast_in_dim3A_676 = vector.shape_cast %select_n3A_675 : vector<16xi32> to vector<16x1xi32>
        %gather3A_677 = vector.shape_cast %broadcast_in_dim3A_676 : vector<16x1xi32> to vector<16xi32>
        %gather3A_678 = tpu.dynamic_gather %get3A_54[%gather3A_677] in [0] : vector<16xf32>, vector<16xi32> -> vector<16xf32>
        %mul3A_679 = arith.constant 16 : i32
        %mul3A_680 = arith.muli %scan3A_49, %mul3A_679 : i32
        %add3A_681 = arith.constant 11 : i32
        %add3A_682 = arith.addi %mul3A_680, %add3A_681 : i32
        %get3A_683 = arith.index_cast %add3A_682 : i32 to index
        %get3A_684 = arith.constant 0 : index
        %get3A_685 = tpu.vector_load %arg10[%get3A_683, %get3A_684] {strides = array<i32>} : memref<80x64xf32, #tpu.memory_space<vmem>>, vector<1x16xf32>,
        %get3A_686 = vector.shape_cast %get3A_685 : vector<1x16xf32> to vector<16xf32>
        %mul3A_687 = arith.mulf %get3A_686, %gather3A_678 : vector<16xf32>
        %swap3A_688 = arith.index_cast %add3A_682 : i32 to index
        %swap3A_689 = arith.constant 0 : index
        %swap3A_690 = tpu.vector_load %arg10[%swap3A_688, %swap3A_689] {strides = array<i32>} : memref<80x64xf32, #tpu.memory_space<vmem>>, vector<1x16xf32>,
        %swap3A_691 = vector.shape_cast %swap3A_690 : vector<1x16xf32> to vector<16xf32>
        %swap3A_692 = vector.shape_cast %mul3A_687 : vector<16xf32> to vector<1x16xf32>
        tpu.vector_store %arg10[%swap3A_688, %swap3A_689], %swap3A_692 {strides = array<i32>} : memref<80x64xf32, #tpu.memory_space<vmem>>, vector<1x16xf32>,
        %get3A_693 = arith.index_cast %add3A_682 : i32 to index
        %get3A_694 = arith.constant 16 : index
        %get3A_695 = tpu.vector_load %arg10[%get3A_693, %get3A_694] {strides = array<i32>} : memref<80x64xf32, #tpu.memory_space<vmem>>, vector<1x16xf32>,
        %get3A_696 = vector.shape_cast %get3A_695 : vector<1x16xf32> to vector<16xf32>
        %mul3A_697 = arith.mulf %get3A_696, %gather3A_678 : vector<16xf32>
        %swap3A_698 = arith.index_cast %add3A_682 : i32 to index
        %swap3A_699 = arith.constant 16 : index
        %swap3A_700 = tpu.vector_load %arg10[%swap3A_698, %swap3A_699] {strides = array<i32>} : memref<80x64xf32, #tpu.memory_space<vmem>>, vector<1x16xf32>,
        %swap3A_701 = vector.shape_cast %swap3A_700 : vector<1x16xf32> to vector<16xf32>
        %swap3A_702 = vector.shape_cast %mul3A_697 : vector<16xf32> to vector<1x16xf32>
        tpu.vector_store %arg10[%swap3A_698, %swap3A_699], %swap3A_702 {strides = array<i32>} : memref<80x64xf32, #tpu.memory_space<vmem>>, vector<1x16xf32>,
        %get3A_703 = arith.index_cast %add3A_682 : i32 to index
        %get3A_704 = arith.constant 32 : index
        %get3A_705 = tpu.vector_load %arg10[%get3A_703, %get3A_704] {strides = array<i32>} : memref<80x64xf32, #tpu.memory_space<vmem>>, vector<1x16xf32>,
        %get3A_706 = vector.shape_cast %get3A_705 : vector<1x16xf32> to vector<16xf32>
        %mul3A_707 = arith.mulf %get3A_706, %gather3A_678 : vector<16xf32>
        %swap3A_708 = arith.index_cast %add3A_682 : i32 to index
        %swap3A_709 = arith.constant 32 : index
        %swap3A_710 = tpu.vector_load %arg10[%swap3A_708, %swap3A_709] {strides = array<i32>} : memref<80x64xf32, #tpu.memory_space<vmem>>, vector<1x16xf32>,
        %swap3A_711 = vector.shape_cast %swap3A_710 : vector<1x16xf32> to vector<16xf32>
        %swap3A_712 = vector.shape_cast %mul3A_707 : vector<16xf32> to vector<1x16xf32>
        tpu.vector_store %arg10[%swap3A_708, %swap3A_709], %swap3A_712 {strides = array<i32>} : memref<80x64xf32, #tpu.memory_space<vmem>>, vector<1x16xf32>,
        %get3A_713 = arith.index_cast %add3A_682 : i32 to index
        %get3A_714 = arith.constant 48 : index
        %get3A_715 = tpu.vector_load %arg10[%get3A_713, %get3A_714] {strides = array<i32>} : memref<80x64xf32, #tpu.memory_space<vmem>>, vector<1x16xf32>,
        %get3A_716 = vector.shape_cast %get3A_715 : vector<1x16xf32> to vector<16xf32>
        %mul3A_717 = arith.mulf %get3A_716, %gather3A_678 : vector<16xf32>
        %swap3A_718 = arith.index_cast %add3A_682 : i32 to index
        %swap3A_719 = arith.constant 48 : index
        %swap3A_720 = tpu.vector_load %arg10[%swap3A_718, %swap3A_719] {strides = array<i32>} : memref<80x64xf32, #tpu.memory_space<vmem>>, vector<1x16xf32>,
        %swap3A_721 = vector.shape_cast %swap3A_720 : vector<1x16xf32> to vector<16xf32>
        %swap3A_722 = vector.shape_cast %mul3A_717 : vector<16xf32> to vector<1x16xf32>
        tpu.vector_store %arg10[%swap3A_718, %swap3A_719], %swap3A_722 {strides = array<i32>} : memref<80x64xf32, #tpu.memory_space<vmem>>, vector<1x16xf32>,
        %broadcast_in_dim3A_723 = arith.constant 12 : i32
        %broadcast_in_dim3A_724 = vector.broadcast %broadcast_in_dim3A_723 : i32 to vector<16xi32>
        %lt3A_725 = arith.constant 0 : i32
        %lt3A_726 = vector.broadcast %lt3A_725 : i32 to vector<16xi32>
        %lt3A_727 = arith.cmpi slt, %broadcast_in_dim3A_724, %lt3A_726 : vector<16xi32>
        %add3A_728 = arith.constant 16 : i32
        %add3A_729 = vector.broadcast %add3A_728 : i32 to vector<16xi32>
        %add3A_730 = arith.addi %broadcast_in_dim3A_724, %add3A_729 : vector<16xi32>
        %select_n3A_731 = arith.select %lt3A_727, %add3A_730, %broadcast_in_dim3A_724 : vector<16xi1>, vector<16xi32>
        %broadcast_in_dim3A_732 = vector.shape_cast %select_n3A_731 : vector<16xi32> to vector<16x1xi32>
        %gather3A_733 = vector.shape_cast %broadcast_in_dim3A_732 : vector<16x1xi32> to vector<16xi32>
        %gather3A_734 = tpu.dynamic_gather %get3A_54[%gather3A_733] in [0] : vector<16xf32>, vector<16xi32> -> vector<16xf32>
        %mul3A_735 = arith.constant 16 : i32
        %mul3A_736 = arith.muli %scan3A_49, %mul3A_735 : i32
        %add3A_737 = arith.constant 12 : i32
        %add3A_738 = arith.addi %mul3A_736, %add3A_737 : i32
        %get3A_739 = arith.index_cast %add3A_738 : i32 to index
        %get3A_740 = arith.constant 0 : index
        %get3A_741 = tpu.vector_load %arg10[%get3A_739, %get3A_740] {strides = array<i32>} : memref<80x64xf32, #tpu.memory_space<vmem>>, vector<1x16xf32>,
        %get3A_742 = vector.shape_cast %get3A_741 : vector<1x16xf32> to vector<16xf32>
        %mul3A_743 = arith.mulf %get3A_742, %gather3A_734 : vector<16xf32>
        %swap3A_744 = arith.index_cast %add3A_738 : i32 to index
        %swap3A_745 = arith.constant 0 : index
        %swap3A_746 = tpu.vector_load %arg10[%swap3A_744, %swap3A_745] {strides = array<i32>} : memref<80x64xf32, #tpu.memory_space<vmem>>, vector<1x16xf32>,
        %swap3A_747 = vector.shape_cast %swap3A_746 : vector<1x16xf32> to vector<16xf32>
        %swap3A_748 = vector.shape_cast %mul3A_743 : vector<16xf32> to vector<1x16xf32>
        tpu.vector_store %arg10[%swap3A_744, %swap3A_745], %swap3A_748 {strides = array<i32>} : memref<80x64xf32, #tpu.memory_space<vmem>>, vector<1x16xf32>,
        %get3A_749 = arith.index_cast %add3A_738 : i32 to index
        %get3A_750 = arith.constant 16 : index
        %get3A_751 = tpu.vector_load %arg10[%get3A_749, %get3A_750] {strides = array<i32>} : memref<80x64xf32, #tpu.memory_space<vmem>>, vector<1x16xf32>,
        %get3A_752 = vector.shape_cast %get3A_751 : vector<1x16xf32> to vector<16xf32>
        %mul3A_753 = arith.mulf %get3A_752, %gather3A_734 : vector<16xf32>
        %swap3A_754 = arith.index_cast %add3A_738 : i32 to index
        %swap3A_755 = arith.constant 16 : index
        %swap3A_756 = tpu.vector_load %arg10[%swap3A_754, %swap3A_755] {strides = array<i32>} : memref<80x64xf32, #tpu.memory_space<vmem>>, vector<1x16xf32>,
        %swap3A_757 = vector.shape_cast %swap3A_756 : vector<1x16xf32> to vector<16xf32>
        %swap3A_758 = vector.shape_cast %mul3A_753 : vector<16xf32> to vector<1x16xf32>
        tpu.vector_store %arg10[%swap3A_754, %swap3A_755], %swap3A_758 {strides = array<i32>} : memref<80x64xf32, #tpu.memory_space<vmem>>, vector<1x16xf32>,
        %get3A_759 = arith.index_cast %add3A_738 : i32 to index
        %get3A_760 = arith.constant 32 : index
        %get3A_761 = tpu.vector_load %arg10[%get3A_759, %get3A_760] {strides = array<i32>} : memref<80x64xf32, #tpu.memory_space<vmem>>, vector<1x16xf32>,
        %get3A_762 = vector.shape_cast %get3A_761 : vector<1x16xf32> to vector<16xf32>
        %mul3A_763 = arith.mulf %get3A_762, %gather3A_734 : vector<16xf32>
        %swap3A_764 = arith.index_cast %add3A_738 : i32 to index
        %swap3A_765 = arith.constant 32 : index
        %swap3A_766 = tpu.vector_load %arg10[%swap3A_764, %swap3A_765] {strides = array<i32>} : memref<80x64xf32, #tpu.memory_space<vmem>>, vector<1x16xf32>,
        %swap3A_767 = vector.shape_cast %swap3A_766 : vector<1x16xf32> to vector<16xf32>
        %swap3A_768 = vector.shape_cast %mul3A_763 : vector<16xf32> to vector<1x16xf32>
        tpu.vector_store %arg10[%swap3A_764, %swap3A_765], %swap3A_768 {strides = array<i32>} : memref<80x64xf32, #tpu.memory_space<vmem>>, vector<1x16xf32>,
        %get3A_769 = arith.index_cast %add3A_738 : i32 to index
        %get3A_770 = arith.constant 48 : index
        %get3A_771 = tpu.vector_load %arg10[%get3A_769, %get3A_770] {strides = array<i32>} : memref<80x64xf32, #tpu.memory_space<vmem>>, vector<1x16xf32>,
        %get3A_772 = vector.shape_cast %get3A_771 : vector<1x16xf32> to vector<16xf32>
        %mul3A_773 = arith.mulf %get3A_772, %gather3A_734 : vector<16xf32>
        %swap3A_774 = arith.index_cast %add3A_738 : i32 to index
        %swap3A_775 = arith.constant 48 : index
        %swap3A_776 = tpu.vector_load %arg10[%swap3A_774, %swap3A_775] {strides = array<i32>} : memref<80x64xf32, #tpu.memory_space<vmem>>, vector<1x16xf32>,
        %swap3A_777 = vector.shape_cast %swap3A_776 : vector<1x16xf32> to vector<16xf32>
        %swap3A_778 = vector.shape_cast %mul3A_773 : vector<16xf32> to vector<1x16xf32>
        tpu.vector_store %arg10[%swap3A_774, %swap3A_775], %swap3A_778 {strides = array<i32>} : memref<80x64xf32, #tpu.memory_space<vmem>>, vector<1x16xf32>,
        %broadcast_in_dim3A_779 = arith.constant 13 : i32
        %broadcast_in_dim3A_780 = vector.broadcast %broadcast_in_dim3A_779 : i32 to vector<16xi32>
        %lt3A_781 = arith.constant 0 : i32
        %lt3A_782 = vector.broadcast %lt3A_781 : i32 to vector<16xi32>
        %lt3A_783 = arith.cmpi slt, %broadcast_in_dim3A_780, %lt3A_782 : vector<16xi32>
        %add3A_784 = arith.constant 16 : i32
        %add3A_785 = vector.broadcast %add3A_784 : i32 to vector<16xi32>
        %add3A_786 = arith.addi %broadcast_in_dim3A_780, %add3A_785 : vector<16xi32>
        %select_n3A_787 = arith.select %lt3A_783, %add3A_786, %broadcast_in_dim3A_780 : vector<16xi1>, vector<16xi32>
        %broadcast_in_dim3A_788 = vector.shape_cast %select_n3A_787 : vector<16xi32> to vector<16x1xi32>
        %gather3A_789 = vector.shape_cast %broadcast_in_dim3A_788 : vector<16x1xi32> to vector<16xi32>
        %gather3A_790 = tpu.dynamic_gather %get3A_54[%gather3A_789] in [0] : vector<16xf32>, vector<16xi32> -> vector<16xf32>
        %mul3A_791 = arith.constant 16 : i32
        %mul3A_792 = arith.muli %scan3A_49, %mul3A_791 : i32
        %add3A_793 = arith.constant 13 : i32
        %add3A_794 = arith.addi %mul3A_792, %add3A_793 : i32
        %get3A_795 = arith.index_cast %add3A_794 : i32 to index
        %get3A_796 = arith.constant 0 : index
        %get3A_797 = tpu.vector_load %arg10[%get3A_795, %get3A_796] {strides = array<i32>} : memref<80x64xf32, #tpu.memory_space<vmem>>, vector<1x16xf32>,
        %get3A_798 = vector.shape_cast %get3A_797 : vector<1x16xf32> to vector<16xf32>
        %mul3A_799 = arith.mulf %get3A_798, %gather3A_790 : vector<16xf32>
        %swap3A_800 = arith.index_cast %add3A_794 : i32 to index
        %swap3A_801 = arith.constant 0 : index
        %swap3A_802 = tpu.vector_load %arg10[%swap3A_800, %swap3A_801] {strides = array<i32>} : memref<80x64xf32, #tpu.memory_space<vmem>>, vector<1x16xf32>,
        %swap3A_803 = vector.shape_cast %swap3A_802 : vector<1x16xf32> to vector<16xf32>
        %swap3A_804 = vector.shape_cast %mul3A_799 : vector<16xf32> to vector<1x16xf32>
        tpu.vector_store %arg10[%swap3A_800, %swap3A_801], %swap3A_804 {strides = array<i32>} : memref<80x64xf32, #tpu.memory_space<vmem>>, vector<1x16xf32>,
        %get3A_805 = arith.index_cast %add3A_794 : i32 to index
        %get3A_806 = arith.constant 16 : index
        %get3A_807 = tpu.vector_load %arg10[%get3A_805, %get3A_806] {strides = array<i32>} : memref<80x64xf32, #tpu.memory_space<vmem>>, vector<1x16xf32>,
        %get3A_808 = vector.shape_cast %get3A_807 : vector<1x16xf32> to vector<16xf32>
        %mul3A_809 = arith.mulf %get3A_808, %gather3A_790 : vector<16xf32>
        %swap3A_810 = arith.index_cast %add3A_794 : i32 to index
        %swap3A_811 = arith.constant 16 : index
        %swap3A_812 = tpu.vector_load %arg10[%swap3A_810, %swap3A_811] {strides = array<i32>} : memref<80x64xf32, #tpu.memory_space<vmem>>, vector<1x16xf32>,
        %swap3A_813 = vector.shape_cast %swap3A_812 : vector<1x16xf32> to vector<16xf32>
        %swap3A_814 = vector.shape_cast %mul3A_809 : vector<16xf32> to vector<1x16xf32>
        tpu.vector_store %arg10[%swap3A_810, %swap3A_811], %swap3A_814 {strides = array<i32>} : memref<80x64xf32, #tpu.memory_space<vmem>>, vector<1x16xf32>,
        %get3A_815 = arith.index_cast %add3A_794 : i32 to index
        %get3A_816 = arith.constant 32 : index
        %get3A_817 = tpu.vector_load %arg10[%get3A_815, %get3A_816] {strides = array<i32>} : memref<80x64xf32, #tpu.memory_space<vmem>>, vector<1x16xf32>,
        %get3A_818 = vector.shape_cast %get3A_817 : vector<1x16xf32> to vector<16xf32>
        %mul3A_819 = arith.mulf %get3A_818, %gather3A_790 : vector<16xf32>
        %swap3A_820 = arith.index_cast %add3A_794 : i32 to index
        %swap3A_821 = arith.constant 32 : index
        %swap3A_822 = tpu.vector_load %arg10[%swap3A_820, %swap3A_821] {strides = array<i32>} : memref<80x64xf32, #tpu.memory_space<vmem>>, vector<1x16xf32>,
        %swap3A_823 = vector.shape_cast %swap3A_822 : vector<1x16xf32> to vector<16xf32>
        %swap3A_824 = vector.shape_cast %mul3A_819 : vector<16xf32> to vector<1x16xf32>
        tpu.vector_store %arg10[%swap3A_820, %swap3A_821], %swap3A_824 {strides = array<i32>} : memref<80x64xf32, #tpu.memory_space<vmem>>, vector<1x16xf32>,
        %get3A_825 = arith.index_cast %add3A_794 : i32 to index
        %get3A_826 = arith.constant 48 : index
        %get3A_827 = tpu.vector_load %arg10[%get3A_825, %get3A_826] {strides = array<i32>} : memref<80x64xf32, #tpu.memory_space<vmem>>, vector<1x16xf32>,
        %get3A_828 = vector.shape_cast %get3A_827 : vector<1x16xf32> to vector<16xf32>
        %mul3A_829 = arith.mulf %get3A_828, %gather3A_790 : vector<16xf32>
        %swap3A_830 = arith.index_cast %add3A_794 : i32 to index
        %swap3A_831 = arith.constant 48 : index
        %swap3A_832 = tpu.vector_load %arg10[%swap3A_830, %swap3A_831] {strides = array<i32>} : memref<80x64xf32, #tpu.memory_space<vmem>>, vector<1x16xf32>,
        %swap3A_833 = vector.shape_cast %swap3A_832 : vector<1x16xf32> to vector<16xf32>
        %swap3A_834 = vector.shape_cast %mul3A_829 : vector<16xf32> to vector<1x16xf32>
        tpu.vector_store %arg10[%swap3A_830, %swap3A_831], %swap3A_834 {strides = array<i32>} : memref<80x64xf32, #tpu.memory_space<vmem>>, vector<1x16xf32>,
        %broadcast_in_dim3A_835 = arith.constant 14 : i32
        %broadcast_in_dim3A_836 = vector.broadcast %broadcast_in_dim3A_835 : i32 to vector<16xi32>
        %lt3A_837 = arith.constant 0 : i32
        %lt3A_838 = vector.broadcast %lt3A_837 : i32 to vector<16xi32>
        %lt3A_839 = arith.cmpi slt, %broadcast_in_dim3A_836, %lt3A_838 : vector<16xi32>
        %add3A_840 = arith.constant 16 : i32
        %add3A_841 = vector.broadcast %add3A_840 : i32 to vector<16xi32>
        %add3A_842 = arith.addi %broadcast_in_dim3A_836, %add3A_841 : vector<16xi32>
        %select_n3A_843 = arith.select %lt3A_839, %add3A_842, %broadcast_in_dim3A_836 : vector<16xi1>, vector<16xi32>
        %broadcast_in_dim3A_844 = vector.shape_cast %select_n3A_843 : vector<16xi32> to vector<16x1xi32>
        %gather3A_845 = vector.shape_cast %broadcast_in_dim3A_844 : vector<16x1xi32> to vector<16xi32>
        %gather3A_846 = tpu.dynamic_gather %get3A_54[%gather3A_845] in [0] : vector<16xf32>, vector<16xi32> -> vector<16xf32>
        %mul3A_847 = arith.constant 16 : i32
        %mul3A_848 = arith.muli %scan3A_49, %mul3A_847 : i32
        %add3A_849 = arith.constant 14 : i32
        %add3A_850 = arith.addi %mul3A_848, %add3A_849 : i32
        %get3A_851 = arith.index_cast %add3A_850 : i32 to index
        %get3A_852 = arith.constant 0 : index
        %get3A_853 = tpu.vector_load %arg10[%get3A_851, %get3A_852] {strides = array<i32>} : memref<80x64xf32, #tpu.memory_space<vmem>>, vector<1x16xf32>,
        %get3A_854 = vector.shape_cast %get3A_853 : vector<1x16xf32> to vector<16xf32>
        %mul3A_855 = arith.mulf %get3A_854, %gather3A_846 : vector<16xf32>
        %swap3A_856 = arith.index_cast %add3A_850 : i32 to index
        %swap3A_857 = arith.constant 0 : index
        %swap3A_858 = tpu.vector_load %arg10[%swap3A_856, %swap3A_857] {strides = array<i32>} : memref<80x64xf32, #tpu.memory_space<vmem>>, vector<1x16xf32>,
        %swap3A_859 = vector.shape_cast %swap3A_858 : vector<1x16xf32> to vector<16xf32>
        %swap3A_860 = vector.shape_cast %mul3A_855 : vector<16xf32> to vector<1x16xf32>
        tpu.vector_store %arg10[%swap3A_856, %swap3A_857], %swap3A_860 {strides = array<i32>} : memref<80x64xf32, #tpu.memory_space<vmem>>, vector<1x16xf32>,
        %get3A_861 = arith.index_cast %add3A_850 : i32 to index
        %get3A_862 = arith.constant 16 : index
        %get3A_863 = tpu.vector_load %arg10[%get3A_861, %get3A_862] {strides = array<i32>} : memref<80x64xf32, #tpu.memory_space<vmem>>, vector<1x16xf32>,
        %get3A_864 = vector.shape_cast %get3A_863 : vector<1x16xf32> to vector<16xf32>
        %mul3A_865 = arith.mulf %get3A_864, %gather3A_846 : vector<16xf32>
        %swap3A_866 = arith.index_cast %add3A_850 : i32 to index
        %swap3A_867 = arith.constant 16 : index
        %swap3A_868 = tpu.vector_load %arg10[%swap3A_866, %swap3A_867] {strides = array<i32>} : memref<80x64xf32, #tpu.memory_space<vmem>>, vector<1x16xf32>,
        %swap3A_869 = vector.shape_cast %swap3A_868 : vector<1x16xf32> to vector<16xf32>
        %swap3A_870 = vector.shape_cast %mul3A_865 : vector<16xf32> to vector<1x16xf32>
        tpu.vector_store %arg10[%swap3A_866, %swap3A_867], %swap3A_870 {strides = array<i32>} : memref<80x64xf32, #tpu.memory_space<vmem>>, vector<1x16xf32>,
        %get3A_871 = arith.index_cast %add3A_850 : i32 to index
        %get3A_872 = arith.constant 32 : index
        %get3A_873 = tpu.vector_load %arg10[%get3A_871, %get3A_872] {strides = array<i32>} : memref<80x64xf32, #tpu.memory_space<vmem>>, vector<1x16xf32>,
        %get3A_874 = vector.shape_cast %get3A_873 : vector<1x16xf32> to vector<16xf32>
        %mul3A_875 = arith.mulf %get3A_874, %gather3A_846 : vector<16xf32>
        %swap3A_876 = arith.index_cast %add3A_850 : i32 to index
        %swap3A_877 = arith.constant 32 : index
        %swap3A_878 = tpu.vector_load %arg10[%swap3A_876, %swap3A_877] {strides = array<i32>} : memref<80x64xf32, #tpu.memory_space<vmem>>, vector<1x16xf32>,
        %swap3A_879 = vector.shape_cast %swap3A_878 : vector<1x16xf32> to vector<16xf32>
        %swap3A_880 = vector.shape_cast %mul3A_875 : vector<16xf32> to vector<1x16xf32>
        tpu.vector_store %arg10[%swap3A_876, %swap3A_877], %swap3A_880 {strides = array<i32>} : memref<80x64xf32, #tpu.memory_space<vmem>>, vector<1x16xf32>,
        %get3A_881 = arith.index_cast %add3A_850 : i32 to index
        %get3A_882 = arith.constant 48 : index
        %get3A_883 = tpu.vector_load %arg10[%get3A_881, %get3A_882] {strides = array<i32>} : memref<80x64xf32, #tpu.memory_space<vmem>>, vector<1x16xf32>,
        %get3A_884 = vector.shape_cast %get3A_883 : vector<1x16xf32> to vector<16xf32>
        %mul3A_885 = arith.mulf %get3A_884, %gather3A_846 : vector<16xf32>
        %swap3A_886 = arith.index_cast %add3A_850 : i32 to index
        %swap3A_887 = arith.constant 48 : index
        %swap3A_888 = tpu.vector_load %arg10[%swap3A_886, %swap3A_887] {strides = array<i32>} : memref<80x64xf32, #tpu.memory_space<vmem>>, vector<1x16xf32>,
        %swap3A_889 = vector.shape_cast %swap3A_888 : vector<1x16xf32> to vector<16xf32>
        %swap3A_890 = vector.shape_cast %mul3A_885 : vector<16xf32> to vector<1x16xf32>
        tpu.vector_store %arg10[%swap3A_886, %swap3A_887], %swap3A_890 {strides = array<i32>} : memref<80x64xf32, #tpu.memory_space<vmem>>, vector<1x16xf32>,
        %broadcast_in_dim3A_891 = arith.constant 15 : i32
        %broadcast_in_dim3A_892 = vector.broadcast %broadcast_in_dim3A_891 : i32 to vector<16xi32>
        %lt3A_893 = arith.constant 0 : i32
        %lt3A_894 = vector.broadcast %lt3A_893 : i32 to vector<16xi32>
        %lt3A_895 = arith.cmpi slt, %broadcast_in_dim3A_892, %lt3A_894 : vector<16xi32>
        %add3A_896 = arith.constant 16 : i32
        %add3A_897 = vector.broadcast %add3A_896 : i32 to vector<16xi32>
        %add3A_898 = arith.addi %broadcast_in_dim3A_892, %add3A_897 : vector<16xi32>
        %select_n3A_899 = arith.select %lt3A_895, %add3A_898, %broadcast_in_dim3A_892 : vector<16xi1>, vector<16xi32>
        %broadcast_in_dim3A_900 = vector.shape_cast %select_n3A_899 : vector<16xi32> to vector<16x1xi32>
        %gather3A_901 = vector.shape_cast %broadcast_in_dim3A_900 : vector<16x1xi32> to vector<16xi32>
        %gather3A_902 = tpu.dynamic_gather %get3A_54[%gather3A_901] in [0] : vector<16xf32>, vector<16xi32> -> vector<16xf32>
        %mul3A_903 = arith.constant 16 : i32
        %mul3A_904 = arith.muli %scan3A_49, %mul3A_903 : i32
        %add3A_905 = arith.constant 15 : i32
        %add3A_906 = arith.addi %mul3A_904, %add3A_905 : i32
        %get3A_907 = arith.index_cast %add3A_906 : i32 to index
        %get3A_908 = arith.constant 0 : index
        %get3A_909 = tpu.vector_load %arg10[%get3A_907, %get3A_908] {strides = array<i32>} : memref<80x64xf32, #tpu.memory_space<vmem>>, vector<1x16xf32>,
        %get3A_910 = vector.shape_cast %get3A_909 : vector<1x16xf32> to vector<16xf32>
        %mul3A_911 = arith.mulf %get3A_910, %gather3A_902 : vector<16xf32>
        %swap3A_912 = arith.index_cast %add3A_906 : i32 to index
        %swap3A_913 = arith.constant 0 : index
        %swap3A_914 = tpu.vector_load %arg10[%swap3A_912, %swap3A_913] {strides = array<i32>} : memref<80x64xf32, #tpu.memory_space<vmem>>, vector<1x16xf32>,
        %swap3A_915 = vector.shape_cast %swap3A_914 : vector<1x16xf32> to vector<16xf32>
        %swap3A_916 = vector.shape_cast %mul3A_911 : vector<16xf32> to vector<1x16xf32>
        tpu.vector_store %arg10[%swap3A_912, %swap3A_913], %swap3A_916 {strides = array<i32>} : memref<80x64xf32, #tpu.memory_space<vmem>>, vector<1x16xf32>,
        %get3A_917 = arith.index_cast %add3A_906 : i32 to index
        %get3A_918 = arith.constant 16 : index
        %get3A_919 = tpu.vector_load %arg10[%get3A_917, %get3A_918] {strides = array<i32>} : memref<80x64xf32, #tpu.memory_space<vmem>>, vector<1x16xf32>,
        %get3A_920 = vector.shape_cast %get3A_919 : vector<1x16xf32> to vector<16xf32>
        %mul3A_921 = arith.mulf %get3A_920, %gather3A_902 : vector<16xf32>
        %swap3A_922 = arith.index_cast %add3A_906 : i32 to index
        %swap3A_923 = arith.constant 16 : index
        %swap3A_924 = tpu.vector_load %arg10[%swap3A_922, %swap3A_923] {strides = array<i32>} : memref<80x64xf32, #tpu.memory_space<vmem>>, vector<1x16xf32>,
        %swap3A_925 = vector.shape_cast %swap3A_924 : vector<1x16xf32> to vector<16xf32>
        %swap3A_926 = vector.shape_cast %mul3A_921 : vector<16xf32> to vector<1x16xf32>
        tpu.vector_store %arg10[%swap3A_922, %swap3A_923], %swap3A_926 {strides = array<i32>} : memref<80x64xf32, #tpu.memory_space<vmem>>, vector<1x16xf32>,
        %get3A_927 = arith.index_cast %add3A_906 : i32 to index
        %get3A_928 = arith.constant 32 : index
        %get3A_929 = tpu.vector_load %arg10[%get3A_927, %get3A_928] {strides = array<i32>} : memref<80x64xf32, #tpu.memory_space<vmem>>, vector<1x16xf32>,
        %get3A_930 = vector.shape_cast %get3A_929 : vector<1x16xf32> to vector<16xf32>
        %mul3A_931 = arith.mulf %get3A_930, %gather3A_902 : vector<16xf32>
        %swap3A_932 = arith.index_cast %add3A_906 : i32 to index
        %swap3A_933 = arith.constant 32 : index
        %swap3A_934 = tpu.vector_load %arg10[%swap3A_932, %swap3A_933] {strides = array<i32>} : memref<80x64xf32, #tpu.memory_space<vmem>>, vector<1x16xf32>,
        %swap3A_935 = vector.shape_cast %swap3A_934 : vector<1x16xf32> to vector<16xf32>
        %swap3A_936 = vector.shape_cast %mul3A_931 : vector<16xf32> to vector<1x16xf32>
        tpu.vector_store %arg10[%swap3A_932, %swap3A_933], %swap3A_936 {strides = array<i32>} : memref<80x64xf32, #tpu.memory_space<vmem>>, vector<1x16xf32>,
        %get3A_937 = arith.index_cast %add3A_906 : i32 to index
        %get3A_938 = arith.constant 48 : index
        %get3A_939 = tpu.vector_load %arg10[%get3A_937, %get3A_938] {strides = array<i32>} : memref<80x64xf32, #tpu.memory_space<vmem>>, vector<1x16xf32>,
        %get3A_940 = vector.shape_cast %get3A_939 : vector<1x16xf32> to vector<16xf32>
        %mul3A_941 = arith.mulf %get3A_940, %gather3A_902 : vector<16xf32>
        %swap3A_942 = arith.index_cast %add3A_906 : i32 to index
        %swap3A_943 = arith.constant 48 : index
        %swap3A_944 = tpu.vector_load %arg10[%swap3A_942, %swap3A_943] {strides = array<i32>} : memref<80x64xf32, #tpu.memory_space<vmem>>, vector<1x16xf32>,
        %swap3A_945 = vector.shape_cast %swap3A_944 : vector<1x16xf32> to vector<16xf32>
        %swap3A_946 = vector.shape_cast %mul3A_941 : vector<16xf32> to vector<1x16xf32>
        tpu.vector_store %arg10[%swap3A_942, %swap3A_943], %swap3A_946 {strides = array<i32>} : memref<80x64xf32, #tpu.memory_space<vmem>>, vector<1x16xf32>,
      }
      %scan3A_48 = arith.constant 5 : i32
      "tpu.region"() ({
        %run_scoped3A = tpu.sem_alloc : memref<!tpu.dma_semaphore, #tpu.memory_space<semaphore_mem>>
        %dma_start3A = arith.constant 0 : i32
        %dma_start3A_49 = tpu.memref_slice %arg7[%scan3A_42, %dma_start3A] : memref<250x80xi32, #tpu.memory_space<vmem>> -> memref<1x80xi32, #tpu.memory_space<vmem>>
        %dma_start3A_50 = tpu.memref_squeeze %dma_start3A_49 : memref<1x80xi32, #tpu.memory_space<vmem>> -> memref<80xi32, #tpu.memory_space<vmem>>
        %dma_start3A_51 = arith.constant 0 : i32
        %dma_start3A_52 = arith.constant 0 : i32
        %dma_start3A_53 = tpu.memref_slice %arg12[%dma_start3A_51, %dma_start3A_52] : memref<10000x64xf32, #tpu.memory_space<vmem_shared>> -> memref<10000x64xf32, #tpu.memory_space<vmem_shared>>
        tpu.enqueue_indirect_dma source(%arg10 : memref<80x64xf32, #tpu.memory_space<vmem>>) target(%dma_start3A_53 : memref<10000x64xf32, #tpu.memory_space<vmem_shared>>) offsets(%dma_start3A_50 : memref<80xi32, #tpu.memory_space<vmem>>) semaphore(%run_scoped3A : memref<!tpu.dma_semaphore, #tpu.memory_space<semaphore_mem>>) {add = true}
        %dma_wait3A = arith.constant 0 : i32
        %dma_wait3A_54 = tpu.memref_slice %arg7[%scan3A_42, %dma_wait3A] : memref<250x80xi32, #tpu.memory_space<vmem>> -> memref<1x80xi32, #tpu.memory_space<vmem>>
        %dma_wait3A_55 = tpu.memref_squeeze %dma_wait3A_54 : memref<1x80xi32, #tpu.memory_space<vmem>> -> memref<80xi32, #tpu.memory_space<vmem>>
        %dma_wait3A_56 = arith.constant 0 : i32
        %dma_wait3A_57 = arith.constant 0 : i32
        %dma_wait3A_58 = tpu.memref_slice %arg12[%dma_wait3A_56, %dma_wait3A_57] : memref<10000x64xf32, #tpu.memory_space<vmem_shared>> -> memref<10000x64xf32, #tpu.memory_space<vmem_shared>>
        tpu.wait_indirect_dma semaphore(%run_scoped3A : memref<!tpu.dma_semaphore, #tpu.memory_space<semaphore_mem>>) src(%arg10 : memref<80x64xf32, #tpu.memory_space<vmem>>) dst(%dma_wait3A_58 : memref<10000x64xf32, #tpu.memory_space<vmem_shared>>)
        tpu.yield
      }) : () -> ()
    }
    %scan3A_23 = arith.constant 250 : i32
    %barrier3A_24 = arith.constant 0 : index
    tpu.barrier barrier_id(%barrier3A_24)
    %mul3A_25 = arith.constant 624 : i32
    %mul3A_26 = arith.muli %arg1, %mul3A_25 : i32
    %add3A_27 = arith.constant 0 : i32
    %add3A_28 = arith.addi %mul3A_26, %add3A_27 : i32
    "tpu.region"() ({
      %run_scoped3A = tpu.sem_alloc : memref<!tpu.dma_semaphore, #tpu.memory_space<semaphore_mem>>
      %dma_start3A = arith.constant 0 : i32
      %dma_start3A_42 = tpu.memref_slice %arg6[%arg0, %add3A_28, %dma_start3A] : memref<2x10000x64xf32, #tpu.memory_space<hbm>> -> memref<1x208x64xf32, #tpu.memory_space<hbm>>
      %dma_start3A_43 = tpu.memref_squeeze %dma_start3A_42 : memref<1x208x64xf32, #tpu.memory_space<hbm>> -> memref<208x64xf32, #tpu.memory_space<hbm>>
      %dma_start3A_44 = arith.constant 0 : i32
      %dma_start3A_45 = tpu.memref_slice %arg12[%add3A_28, %dma_start3A_44] : memref<10000x64xf32, #tpu.memory_space<vmem_shared>> -> memref<208x64xf32, #tpu.memory_space<vmem_shared>>
      tpu.enqueue_dma source(%dma_start3A_45 : memref<208x64xf32, #tpu.memory_space<vmem_shared>>) target(%dma_start3A_43 : memref<208x64xf32, #tpu.memory_space<hbm>>) target_semaphore(%run_scoped3A : memref<!tpu.dma_semaphore, #tpu.memory_space<semaphore_mem>>)
      %dma_wait3A = arith.constant 0 : i32
      %dma_wait3A_46 = tpu.memref_slice %arg6[%arg0, %add3A_28, %dma_wait3A] : memref<2x10000x64xf32, #tpu.memory_space<hbm>> -> memref<1x208x64xf32, #tpu.memory_space<hbm>>
      %dma_wait3A_47 = tpu.memref_squeeze %dma_wait3A_46 : memref<1x208x64xf32, #tpu.memory_space<hbm>> -> memref<208x64xf32, #tpu.memory_space<hbm>>
      %dma_wait3A_48 = arith.constant 0 : i32
      %dma_wait3A_49 = tpu.memref_slice %arg12[%add3A_28, %dma_wait3A_48] : memref<10000x64xf32, #tpu.memory_space<vmem_shared>> -> memref<208x64xf32, #tpu.memory_space<vmem_shared>>
      tpu.wait_dma2 semaphore(%run_scoped3A : memref<!tpu.dma_semaphore, #tpu.memory_space<semaphore_mem>>) src(%dma_wait3A_49 : memref<208x64xf32, #tpu.memory_space<vmem_shared>>) dst(%dma_wait3A_47 : memref<208x64xf32, #tpu.memory_space<hbm>>)
      tpu.yield
    }) : () -> ()
    %mul3A_29 = arith.constant 624 : i32
    %mul3A_30 = arith.muli %arg1, %mul3A_29 : i32
    %add3A_31 = arith.constant 208 : i32
    %add3A_32 = arith.addi %mul3A_30, %add3A_31 : i32
    "tpu.region"() ({
      %run_scoped3A = tpu.sem_alloc : memref<!tpu.dma_semaphore, #tpu.memory_space<semaphore_mem>>
      %dma_start3A = arith.constant 0 : i32
      %dma_start3A_42 = tpu.memref_slice %arg6[%arg0, %add3A_32, %dma_start3A] : memref<2x10000x64xf32, #tpu.memory_space<hbm>> -> memref<1x208x64xf32, #tpu.memory_space<hbm>>
      %dma_start3A_43 = tpu.memref_squeeze %dma_start3A_42 : memref<1x208x64xf32, #tpu.memory_space<hbm>> -> memref<208x64xf32, #tpu.memory_space<hbm>>
      %dma_start3A_44 = arith.constant 0 : i32
      %dma_start3A_45 = tpu.memref_slice %arg12[%add3A_32, %dma_start3A_44] : memref<10000x64xf32, #tpu.memory_space<vmem_shared>> -> memref<208x64xf32, #tpu.memory_space<vmem_shared>>
      tpu.enqueue_dma source(%dma_start3A_45 : memref<208x64xf32, #tpu.memory_space<vmem_shared>>) target(%dma_start3A_43 : memref<208x64xf32, #tpu.memory_space<hbm>>) target_semaphore(%run_scoped3A : memref<!tpu.dma_semaphore, #tpu.memory_space<semaphore_mem>>)
      %dma_wait3A = arith.constant 0 : i32
      %dma_wait3A_46 = tpu.memref_slice %arg6[%arg0, %add3A_32, %dma_wait3A] : memref<2x10000x64xf32, #tpu.memory_space<hbm>> -> memref<1x208x64xf32, #tpu.memory_space<hbm>>
      %dma_wait3A_47 = tpu.memref_squeeze %dma_wait3A_46 : memref<1x208x64xf32, #tpu.memory_space<hbm>> -> memref<208x64xf32, #tpu.memory_space<hbm>>
      %dma_wait3A_48 = arith.constant 0 : i32
      %dma_wait3A_49 = tpu.memref_slice %arg12[%add3A_32, %dma_wait3A_48] : memref<10000x64xf32, #tpu.memory_space<vmem_shared>> -> memref<208x64xf32, #tpu.memory_space<vmem_shared>>
      tpu.wait_dma2 semaphore(%run_scoped3A : memref<!tpu.dma_semaphore, #tpu.memory_space<semaphore_mem>>) src(%dma_wait3A_49 : memref<208x64xf32, #tpu.memory_space<vmem_shared>>) dst(%dma_wait3A_47 : memref<208x64xf32, #tpu.memory_space<hbm>>)
      tpu.yield
    }) : () -> ()
    %mul3A_33 = arith.constant 624 : i32
    %mul3A_34 = arith.muli %arg1, %mul3A_33 : i32
    %add3A_35 = arith.constant 416 : i32
    %add3A_36 = arith.addi %mul3A_34, %add3A_35 : i32
    "tpu.region"() ({
      %run_scoped3A = tpu.sem_alloc : memref<!tpu.dma_semaphore, #tpu.memory_space<semaphore_mem>>
      %dma_start3A = arith.constant 0 : i32
      %dma_start3A_42 = tpu.memref_slice %arg6[%arg0, %add3A_36, %dma_start3A] : memref<2x10000x64xf32, #tpu.memory_space<hbm>> -> memref<1x208x64xf32, #tpu.memory_space<hbm>>
      %dma_start3A_43 = tpu.memref_squeeze %dma_start3A_42 : memref<1x208x64xf32, #tpu.memory_space<hbm>> -> memref<208x64xf32, #tpu.memory_space<hbm>>
      %dma_start3A_44 = arith.constant 0 : i32
      %dma_start3A_45 = tpu.memref_slice %arg12[%add3A_36, %dma_start3A_44] : memref<10000x64xf32, #tpu.memory_space<vmem_shared>> -> memref<208x64xf32, #tpu.memory_space<vmem_shared>>
      tpu.enqueue_dma source(%dma_start3A_45 : memref<208x64xf32, #tpu.memory_space<vmem_shared>>) target(%dma_start3A_43 : memref<208x64xf32, #tpu.memory_space<hbm>>) target_semaphore(%run_scoped3A : memref<!tpu.dma_semaphore, #tpu.memory_space<semaphore_mem>>)
      %dma_wait3A = arith.constant 0 : i32
      %dma_wait3A_46 = tpu.memref_slice %arg6[%arg0, %add3A_36, %dma_wait3A] : memref<2x10000x64xf32, #tpu.memory_space<hbm>> -> memref<1x208x64xf32, #tpu.memory_space<hbm>>
      %dma_wait3A_47 = tpu.memref_squeeze %dma_wait3A_46 : memref<1x208x64xf32, #tpu.memory_space<hbm>> -> memref<208x64xf32, #tpu.memory_space<hbm>>
      %dma_wait3A_48 = arith.constant 0 : i32
      %dma_wait3A_49 = tpu.memref_slice %arg12[%add3A_36, %dma_wait3A_48] : memref<10000x64xf32, #tpu.memory_space<vmem_shared>> -> memref<208x64xf32, #tpu.memory_space<vmem_shared>>
      tpu.wait_dma2 semaphore(%run_scoped3A : memref<!tpu.dma_semaphore, #tpu.memory_space<semaphore_mem>>) src(%dma_wait3A_49 : memref<208x64xf32, #tpu.memory_space<vmem_shared>>) dst(%dma_wait3A_47 : memref<208x64xf32, #tpu.memory_space<hbm>>)
      tpu.yield
    }) : () -> ()
    %eq3A_37 = arith.constant 15 : i32
    %eq3A_38 = arith.cmpi eq, %arg1, %eq3A_37 : i32
    %convert_element_type3A_39 = arith.extui %eq3A_38 : i1 to i32
    %cond3A_40 = arith.constant 0 : i32
    %cond3A_41 = arith.cmpi ne, %convert_element_type3A_39, %cond3A_40 : i32
    scf.if %cond3A_41 {
      "tpu.region"() ({
        %run_scoped3A = tpu.sem_alloc : memref<!tpu.dma_semaphore, #tpu.memory_space<semaphore_mem>>
        %dma_start3A = arith.constant 9984 : i32
        %dma_start3A_42 = arith.constant 0 : i32
        %dma_start3A_43 = tpu.memref_slice %arg6[%arg0, %dma_start3A, %dma_start3A_42] : memref<2x10000x64xf32, #tpu.memory_space<hbm>> -> memref<1x16x64xf32, #tpu.memory_space<hbm>>
        %dma_start3A_44 = tpu.memref_squeeze %dma_start3A_43 : memref<1x16x64xf32, #tpu.memory_space<hbm>> -> memref<16x64xf32, #tpu.memory_space<hbm>>
        %dma_start3A_45 = arith.constant 9984 : i32
        %dma_start3A_46 = arith.constant 0 : i32
        %dma_start3A_47 = tpu.memref_slice %arg12[%dma_start3A_45, %dma_start3A_46] : memref<10000x64xf32, #tpu.memory_space<vmem_shared>> -> memref<16x64xf32, #tpu.memory_space<vmem_shared>>
        tpu.enqueue_dma source(%dma_start3A_47 : memref<16x64xf32, #tpu.memory_space<vmem_shared>>) target(%dma_start3A_44 : memref<16x64xf32, #tpu.memory_space<hbm>>) target_semaphore(%run_scoped3A : memref<!tpu.dma_semaphore, #tpu.memory_space<semaphore_mem>>)
        %dma_wait3A = arith.constant 9984 : i32
        %dma_wait3A_48 = arith.constant 0 : i32
        %dma_wait3A_49 = tpu.memref_slice %arg6[%arg0, %dma_wait3A, %dma_wait3A_48] : memref<2x10000x64xf32, #tpu.memory_space<hbm>> -> memref<1x16x64xf32, #tpu.memory_space<hbm>>
        %dma_wait3A_50 = tpu.memref_squeeze %dma_wait3A_49 : memref<1x16x64xf32, #tpu.memory_space<hbm>> -> memref<16x64xf32, #tpu.memory_space<hbm>>
        %dma_wait3A_51 = arith.constant 9984 : i32
        %dma_wait3A_52 = arith.constant 0 : i32
        %dma_wait3A_53 = tpu.memref_slice %arg12[%dma_wait3A_51, %dma_wait3A_52] : memref<10000x64xf32, #tpu.memory_space<vmem_shared>> -> memref<16x64xf32, #tpu.memory_space<vmem_shared>>
        tpu.wait_dma2 semaphore(%run_scoped3A : memref<!tpu.dma_semaphore, #tpu.memory_space<semaphore_mem>>) src(%dma_wait3A_53 : memref<16x64xf32, #tpu.memory_space<vmem_shared>>) dst(%dma_wait3A_50 : memref<16x64xf32, #tpu.memory_space<hbm>>)
        tpu.yield
      }) : () -> ()
    } else {
    }
    return
  }
}

module attributes {stable_mosaic.version = 14 : i64} {
  func.func @_combine_body(%arg0: i32, %arg1: memref<1000x128xf32, #tpu.memory_space<vmem>>, %arg2: memref<2x1000x64xf32, #tpu.memory_space<vmem>>, %arg3: memref<1000x128xf32, #tpu.memory_space<vmem>>) attributes {dimension_semantics = [#tpu.dimension_semantics<arbitrary>], iteration_bounds = array<i64: 10>, scalar_prefetch = 0 : i64, scratch_operands = 0 : i64, tpu.core_type = #tpu.core_type<tc>, window_params = [{transform_indices = @transform_0, window_bounds = array<i64: 1000, 128>}, {transform_indices = @transform_1, window_bounds = array<i64: 2, 1000, 64>}, {transform_indices = @transform_2, window_bounds = array<i64: 1000, 128>}]} {
    %get3A = arith.constant 0 : index
    %get3A_0 = arith.constant 0 : index
    %get3A_1 = arith.constant 0 : index
    %get3A_2 = vector.load %arg2[%get3A, %get3A_0, %get3A_1] : memref<2x1000x64xf32, #tpu.memory_space<vmem>>, vector<1x1000x64xf32>
    %get3A_3 = vector.shape_cast %get3A_2 : vector<1x1000x64xf32> to vector<1000x64xf32>
    %get3A_4 = arith.constant 1 : index
    %get3A_5 = arith.constant 0 : index
    %get3A_6 = arith.constant 0 : index
    %get3A_7 = vector.load %arg2[%get3A_4, %get3A_5, %get3A_6] : memref<2x1000x64xf32, #tpu.memory_space<vmem>>, vector<1x1000x64xf32>
    %get3A_8 = vector.shape_cast %get3A_7 : vector<1x1000x64xf32> to vector<1000x64xf32>
    %concatenate3A = tpu.concatenate %get3A_3, %get3A_8 in 1 : vector<1000x64xf32>, vector<1000x64xf32> -> vector<1000x128xf32>
    %get3A_9 = arith.constant 0 : index
    %get3A_10 = arith.constant 0 : index
    %get3A_11 = vector.load %arg1[%get3A_9, %get3A_10] : memref<1000x128xf32, #tpu.memory_space<vmem>>, vector<1000x128xf32>
    %max3A = arith.constant 0.000000e+00 : f32
    %max3A_12 = vector.broadcast %max3A : f32 to vector<1000x128xf32>
    %max3A_13 = arith.maximumf %concatenate3A, %max3A_12 : vector<1000x128xf32>
    %add3A = arith.addf %get3A_11, %max3A_13 : vector<1000x128xf32>
    %swap3A = arith.constant 0 : index
    %swap3A_14 = arith.constant 0 : index
    %swap3A_15 = vector.load %arg3[%swap3A, %swap3A_14] : memref<1000x128xf32, #tpu.memory_space<vmem>>, vector<1000x128xf32>
    tpu.vector_store %arg3[%swap3A, %swap3A_14], %add3A {strides = array<i32>} : memref<1000x128xf32, #tpu.memory_space<vmem>>, vector<1000x128xf32>,
    return
  }
  func.func @transform_0(%arg0: i32) -> (i32, i32) {
    %c0_i32 = arith.constant 0 : i32
    %c0_i32_0 = arith.constant 0 : i32
    return %arg0, %c0_i32 : i32, i32
  }
  func.func @transform_1(%arg0: i32) -> (i32, i32, i32) {
    %c0_i32 = arith.constant 0 : i32
    %c0_i32_0 = arith.constant 0 : i32
    %c0_i32_1 = arith.constant 0 : i32
    return %c0_i32, %arg0, %c0_i32_0 : i32, i32, i32
  }
  func.func @transform_2(%arg0: i32) -> (i32, i32) {
    %c0_i32 = arith.constant 0 : i32
    %c0_i32_0 = arith.constant 0 : i32
    return %arg0, %c0_i32 : i32, i32
  }
}

</mosaic_0001>

<sc_bundles>
// kernel: kernel.4.cloned.1.call-start
scs
__scs_entry_jumppad:
0x0: {  	(pc) =	sbr.rel $0x88, $3  }
0x1: {  	(tag) =	ssettag $0x0;
	lr =	simm.s32 $0x1  }
0x2: {  	[smem:$0x3F9E] =	sst lr;
	_ =	strace $0xD0000000  }
0x3: {  	_ = 	snop  }
0x4: {  	_ = 	snop  }
0x5: {  	_ = 	snop  }
0x6: {  	_ = 	snop  }
0x7: {  	_ = 	snop  }
__scs_overlays_trampoline_lowered:
0x8: {  	[smem:$0x3FAD] =	sst s0  }
0x9: {  	[smem:$0x3FAE] =	sst s1  }
0xa: {  	[smem:$0x3FAF] =	sst s2  }
0xb: {  	[smem:$0x3FB0] =	sst s3  }
0xc: {  	[smem:$0x3FB1] =	sst s4  }
0xd: {  	[smem:$0x3FB2] =	sst s5  }
0xe: {  	[smem:$0x3FB3] =	sst s6  }
0xf: {  	[smem:$0x3FB4] =	sst s7  }
0x10: {  	[smem:$0x3FB5] =	sst s8  }
0x11: {  	[smem:$0x3FB6] =	sst s9;
	s0 =	simm.s32 @!p0 $0x0  }
0x12: {  	s1 =	sld [smem:$0x3F9C];
	s0 =	simm.s32 @p0 $0x1  }
0x13: {  	[smem:$0x3FB7] =	sst s0;
	s0 =	simm.s32 @!p1 $0x0  }
0x14: {  	s2 =	sld [smem:$0x3F9B];
	s0 =	simm.s32 @p1 $0x1  }
0x15: {  	[smem:$0x3FB8] =	sst s0;
	s0 =	simm.s32 @!p2 $0x0  }
0x16: {  	s3 =	sld [smem:$0x3FDB];
	s0 =	simm.s32 @p2 $0x1  }
0x17: {  	s4 =	simm.s32 $0x1BF5;
	[smem:$0x3FBA] =	sst s0  }
0x18: {  	s0 =	sld [smem:$0x3F9D];
	_ =	swait.ge [sflag:s4], $0x0  }
0x19: {  	s7 =	sld [smem:$0x3F9E]  }
0x1a: {  	s8 =	sadd.s32 $0xFFFFE003, lr  }
0x1b: {  	s9 =	sadd.s32 $0xFFFFFEF7, lr;
	s5 =	simm.s32 $0xFFFFFFFF;
	p2 =	slt.u32 s8, $0xFFFFF086  }
0x1c: {  	p1 =	slt.u32 s9, $0xF7A;
	s5 =	simm.s32 @!p2 $0x0  }
0x1d: {  	s5 =	simm.s32 @p1 $0x1;
	p0 =	seq.s32 s7, s2  }
0x1e: {  	s7 =	smul.u32 @!p0 $0xF7A, s2;
	p2 =	seq.s32 @!p0 s5, $0x0  }
0x1f: {  	s9 =	smul.u32 $0xF7A, s1;
	s8 =	simm.s32 @!p0 $0x1BF5;
	p2 =	por !p2, p0  }
0x20: {  	[sflag:s8] =	ssyncset.s32 @!p0 $0xFFFFF086;
	s6 =	sadd.s32 @!p0 s3, s7;
	s7 =	simm.s32 @!p0 $0x108  }
0x21: {  	s3 =	sadd.s32 s3, s9;
	s6 =	sadd.s32 @!p0 $0x88, s6;
	s7 =	simm.s32 @p2 $0x1082  }
0x22: {  	[simem:s7], [sflag:s8] =	dma.local @!p0 [hbm:s6], $0xF7A  }
0x23: {  	s9 =	sor.u32 $0xD0000000, s2;
	s6 =	simm.s32 $0x108;
	_ =	swait.ge @!p0 [sflag:s8], $0x0  }
0x24: {  	s3 =	sadd.s32 $0x88, s3;
	s6 =	simm.s32 @!p1 $0x1082;
	[sflag:s4] =	ssyncset.s32 $0xFFFFF086  }
0x25: {  	[simem:s6], [sflag:s4] =	dma.local [hbm:s3], $0xF7A  }
0x26: {  	[smem:$0x3F9E] =	sst s1;
	(tag) =	ssettag s2;
	_ =	strace s9  }
0x27: {  	s1 =	sld [smem:$0x3FAE]  }
0x28: {  	s2 =	sld [smem:$0x3FAF]  }
0x29: {  	s4 =	sld [smem:$0x3FB1]  }
0x2a: {  	p0 =	seq.s32 s5, $0x0;
	s5 =	sld [smem:$0x3FB2]  }
0x2b: {  	s6 =	sld [smem:$0x3FB3]  }
0x2c: {  	s7 =	sld [smem:$0x3FB4]  }
0x2d: {  	s3 =	simm.s32 $0x108;
	s8 =	sld [smem:$0x3FB5]  }
0x2e: {  	s3 =	simm.s32 @!p0 $0x1082;
	s9 =	sld [smem:$0x3FB6]  }
0x2f: {  	lr =	sadd.s32 s0, s3;
	s0 =	sld [smem:$0x3FAD]  }
0x30: {  	s3 =	sld [smem:$0x3FB0]  }
0x31: {  	[smem:$0x3FB9] =	sst s10  }
0x32: {  	s10 =	sld [smem:$0x3FB7];
	_ =	sdelay $0x3  }
0x33: {  	p0 =	seq.s32 s10, $0x1;
	s10 =	sld [smem:$0x3FB9];
	_ =	sdelay $0x3  }
0x34: {  	[smem:$0x3FB9] =	sst s10  }
0x35: {  	s10 =	sld [smem:$0x3FB8];
	_ =	sdelay $0x3  }
0x36: {  	p1 =	seq.s32 s10, $0x1;
	s10 =	sld [smem:$0x3FB9];
	_ =	sdelay $0x3  }
0x37: {  	[smem:$0x3FB9] =	sst s10  }
0x38: {  	s10 =	sld [smem:$0x3FBA]  }
0x39: {  	_ = 	snop;
	(pc) =	sbr.ind lr, $3  }
0x3a: {  	_ = 	snop  }
0x3b: {  	_ = 	snop  }
0x3c: {  	p2 =	seq.s32 s10, $0x1;
	s10 =	sld [smem:$0x3FB9]  }
0x3d: {  	_ =	shalt  }
0x3e: {  	_ =	shalt  }
0x3f: {  	_ =	shalt  }
0x40: {  	_ =	shalt  }
0x41: {  	_ =	shalt  }
0x42: {  	_ =	shalt  }
0x43: {  	_ =	shalt  }
0x44: {  	_ =	shalt  }
0x45: {  	_ =	shalt  }
0x46: {  	_ =	shalt  }
0x47: {  	_ =	shalt  }
0x48: {  	_ =	shalt  }
0x49: {  	_ =	shalt  }
0x4a: {  	_ =	shalt  }
0x4b: {  	_ =	shalt  }
0x4c: {  	_ =	shalt  }
0x4d: {  	_ =	shalt  }
0x4e: {  	_ =	shalt  }
0x4f: {  	_ =	shalt  }
0x50: {  	_ =	shalt  }
0x51: {  	_ =	shalt  }
0x52: {  	_ =	shalt  }
0x53: {  	_ =	shalt  }
0x54: {  	_ =	shalt  }
0x55: {  	_ =	shalt  }
0x56: {  	_ =	shalt  }
0x57: {  	_ =	shalt  }
0x58: {  	_ =	shalt  }
0x59: {  	_ =	shalt  }
0x5a: {  	_ =	shalt  }
0x5b: {  	_ =	shalt  }
0x5c: {  	_ =	shalt  }
0x5d: {  	_ =	shalt  }
0x5e: {  	_ =	shalt  }
0x5f: {  	_ =	shalt  }
0x60: {  	_ =	shalt  }
0x61: {  	_ =	shalt  }
0x62: {  	_ =	shalt  }
0x63: {  	_ =	shalt  }
0x64: {  	_ =	shalt  }
0x65: {  	_ =	shalt  }
0x66: {  	_ =	shalt  }
0x67: {  	_ =	shalt  }
0x68: {  	_ =	shalt  }
0x69: {  	_ =	shalt  }
0x6a: {  	_ =	shalt  }
0x6b: {  	_ =	shalt  }
0x6c: {  	_ =	shalt  }
0x6d: {  	_ =	shalt  }
0x6e: {  	_ =	shalt  }
0x6f: {  	_ =	shalt  }
0x70: {  	_ =	shalt  }
0x71: {  	_ =	shalt  }
0x72: {  	_ =	shalt  }
0x73: {  	_ =	shalt  }
0x74: {  	_ =	shalt  }
0x75: {  	_ =	shalt  }
0x76: {  	_ =	shalt  }
0x77: {  	_ =	shalt  }
0x78: {  	_ =	shalt  }
0x79: {  	_ =	shalt  }
0x7a: {  	_ =	shalt  }
0x7b: {  	_ =	shalt  }
0x7c: {  	_ =	shalt  }
0x7d: {  	_ =	shalt  }
0x7e: {  	_ =	shalt  }
0x7f: {  	_ =	shalt  }
0x80: {  	_ =	shalt  }
0x81: {  	_ =	shalt  }
0x82: {  	_ =	shalt  }
0x83: {  	_ =	shalt  }
0x84: {  	_ =	shalt  }
0x85: {  	_ =	shalt  }
0x86: {  	_ =	shalt  }
0x87: {  	_ =	shalt  }
.Lfunc_end0:
.L_simem_size_0:
called_computation_lowered:
.L_overlay_start_0:
0x88: {  	s2 =	sld [smem:$0x3FD9]  }
0x89: {  	s3 =	sld [smem:$0x3FFE];
	_ =	sdelay $0x1  }
0x8a: {  	s1 =	srdreg.scid  }
0x8b: {  	s0 =	sand.u32 $0x1, s1  }
0x8c: {  	s17 =	sshll.u32 s0, $0xA;
	s2 =	sadd.s32 s3, s2  }
0x8d: {  	s2 =	sadd.s32 s2, s17  }
0x8e: {  	[smem:$0x3FC5] =	sst s2  }
0x8f: {  	_ = 	snop  }
0x90: {  	s2 =	sld [smem:$0x3FC7]  }
0x91: {  	s18 =	sld [smem:$0x3FD0];
	(tm) =	ssettm $0x1  }
0x92: {  	s4 =	sld [smem:$0x3FFB];
	_ =	sdelay $0x3  }
0x93: {  	_ =	strace s4  }
0x94: {  	s4 =	sld [smem:$0x3FFC];
	_ =	sdelay $0x3  }
0x95: {  	_ =	strace s4  }
0x96: {  	s4 =	sld [smem:$0x3FFD];
	_ =	sdelay $0x3  }
0x97: {  	_ =	strace s4  }
0x98: {  	_ =	strace $0x8FFFFFFF  }
0x99: {  	s19 =	sld [smem:$0x3FDB];
	_ =	sdelay $0x1  }
0x9a: {  	s5 =	simm.s32 $_scs_section_size  }
0x9b: {  	s6 =	simm.s32 $_size__tile_overlayer_lowered;
	s7 =	simm.s32 $_tile_overlayer_lowered  }
0x9c: {  	s22 =	simm.s32 $0x1BFF;
	s21 =	sshll.u32 s7, $0x1;
	s4 =	sadd.s32 s5, s19  }
0x9d: {  	s8 =	simm.s32 $0x0;
	s20 =	sshll.u32 s6, $0x1;
	s6 =	sadd.s32 s21, s4  }
0x9e: {  	[timem:s8], [sflag:s22] =	dma.local [hbm:s6], s20  }
0x9f: {  	_ =	swait.ge [sflag:s22], s20  }
0xa0: {  	s5 =	ssub.s32 $0x0, s20;
	[sflag:s22] =	ssyncset.done $0x0  }
0xa1: {  	[sflag:s22] =	ssyncadd.s32 s5;
	_ =	sdelay $0x1  }
0xa2: {  	s23 =	simm.s32 $0x1B8B  }
0xa3: {  	_ =	swait.ge [sflag:s23], $0x1  }
0xa4: {  	[sflag:s23] =	ssyncset.done $0x0  }
0xa5: {  	s25 =	simm.s32 $0x1B8E;
	s24 =	sld [smem:$0x3FFE];
	[sflag:s23] =	ssyncadd.s32 $0xFFFFFFFF  }
0xa6: {  	s26 =	simm.s32 $execute0_lowered;
	[smem:$0x3FD2] =	sst s25  }
0xa7: {  	s6 =	sshll.u32 s26, $0x1;
	_ =	strace $0x80000046;
	[dreg:$0x1] =	wrdreg $0xFFFFFFFF  }
0xa8: {  	s28 =	simm.s32 $_size_execute0_lowered;
	s4 =	sadd.s32 s4, s6;
	[dreg:$0x0] =	wrdreg $0x0  }
0xa9: {  	s6 =	sshll.u32 s28, $0x1;
	[dreg:$0x2] =	wrdreg s4  }
0xaa: {  	[dreg:$0x3] =	wrdreg s6  }
0xab: {  	[dreg:$0x4] =	wrdreg $0xC0  }
0xac: {  	_ =	task [dreg:s8], $0x5FFFF  }
0xad: {  	[dreg:$0x1] =	wrdreg $0xFFFFFFFF  }
0xae: {  	[dreg:$0x0] =	wrdreg $0x60  }
0xaf: {  	[dreg:$0x2] =	wrdreg s18  }
0xb0: {  	[dreg:$0x3] =	wrdreg s24  }
0xb1: {  	[dreg:$0x4] =	wrdreg s2  }
0xb2: {  	[dreg:$0x5] =	wrdreg $0x132600  }
0xb3: {  	[dreg:$0x6] =	wrdreg $0x9  }
0xb4: {  	_ =	task.clear_ibuf [dreg:s8], $0x7FFFF;
	_ =	strace $0x90000046  }
0xb5: {  	s29 =	simm.s32 $0x9;
	_ =	strace $0x80000048  }
0xb6: {  	_ =	swait.ge [sflag:s29], $0x1  }
0xb7: {  	[sflag:s29] =	ssyncadd.s32 $0xFFFFFFFF  }
0xb8: {  	_ =	strace $0x90000048  }
0xb9: {  	_ =	sfence  }
0xba: {  	s30 =	sld [smem:$0x0];
	_ =	sdelay $0x2  }
0xbb: {  	s31 =	sshll.u32 s1, $0xD;
	s1 =	sshrl.u32 s1, $0x2  }
0xbc: {  	s3 =	sand.u32 $0x4000, s31;
	s1 =	sadd.s32 s1, s30  }
0xbd: {  	s0 =	sor.u32 s3, s0;
	s1 =	sshll.u32 s1, $0x11  }
0xbe: {  	s0 =	sor.u32 s1, s0  }
0xbf: {  	s0 =	sadd.s32 $0x8F2B, s0  }
0xc0: {  	[sflag:s0] =	ssyncadd.remote.s32 $0x1  }
0xc1: {  	_ =	sfence.sel $0xFFFF  }
0xc2: {  	[dreg:$0x0] =	wrdreg $0xFFFFFFFF;
	(pc) =	sbr.abs _section_cstart, $3  }
0xc3: {  	[dreg:$0x1] =	wrdreg $0xFFFFFFFF  }
0xc4: {  	_ =	task.clear_ibuf [dreg:s8], $0x2FFFF;
	_ =	strace $0x9FFFFFFF  }
0xc5: {  	(tm) =	ssettm $0x7FFFFFFF  }
tec
execute0_lowered:
.L_overlay_start_1:
0x0: {  	(tag) =	ssettag $0x1  }
0x1: {  	s11 =	rddreg [dreg:$0x0]  }
0x2: {  	s4 =	rddreg [dreg:$0x1]  }
0x3: {  	s10 =	rddreg [dreg:$0x2]  }
0x4: {  	s2 =	rddreg [dreg:$0x3]  }
0x5: {  	s0 =	rddreg [dreg:$0x4]  }
0x6: {  	s1 =	stileid.u32;
	s5 =	srdreg.scid  }
0x7: {  	s3 =	simm.s32 $0x0;
	s21 =	simm.s32 $0xEA60;
	s12 =	smul.u32 $0x9C4, s1  }
0x8: {  	s9 =	sand.u32 $0x1, s5;
	[smem:$0x7FF] =	sst s3;
	s13 =	smul.u32 $0x9C00, s1  }
0x9: {  	s15 =	sadd.s32 $0x14400, s4;
	s7 =	sadd.s32 $0x9C000, s2;
	p0 =	sne.s32 s1, $0xF  }
0xa: {  	s5 =	ssub.s32 $0x2, s9;
	_ =	strace $0x80000047;
	s19 =	smul.u32 $0x9C400, s9  }
0xb: {  	s20 =	smul.u32 $0x13880, s9;
	s14 =	sadd.s32 s12, s4;
	s6 =	sshrl.u32 s5, $0x1  }
0xc: {  	s4 =	sadd.s32 s13, s2;
	s17 =	sadd.s32 $0x3400, s13;
	s18 =	sadd.s32 $0x6800, s13  }
0xd: {  	s10 =	sadd.s32 s10, s12;
	s16 =	ssub.s32 s5, s6;
	s5 =	sadd.s32 s17, s2  }
0xe: {  	s6 =	sadd.s32 s18, s2;
	s8 =	sadd.s32 $0xA600, s14;
	s13 =	sadd.s32 s13, s19  }
0xf: {  	v0 =	vimm.f32 $0.0e+00;
	v1 =	vimm.s32 $0x0;
	s9 =	sadd.s32 $0x800, s14;
	s11 =	sadd.s32 s11, s20;
	s29 =	sadd.s32 s19, s17  }
0x10: {  	v2 =	vimm.s32 $0x1;
	v3 =	vimm.s32 $0x2;
	v4 =	vimm.s32 $0x3;
	s30 =	sadd.s32 s19, s18;
	s31 =	sshrl.u32 s19, $0x3;
	s18 =	simm.s32 $0x1  }
0x11: {  	v5 =	vimm.s32 $0x4;
	v6 =	vimm.s32 $0x5;
	v7 =	vimm.s32 $0x6;
	s19 =	simm.s32 $0x4E20;
	s20 =	simm.s32 $0x50;
	s28 =	sshrl.u32 s13, $0x3  }
0x12: {  	v8 =	vimm.s32 $0x7;
	v9 =	vimm.s32 $0x8;
	v10 =	vimm.s32 $0x9;
	s13 =	sshrl.u32 s29, $0x3;
	s14 =	sshrl.u32 s30, $0x3;
	s17 =	sadd.s32 s15, s31  }
0x13: {  	v11 =	vimm.s32 $0xA;
	v12 =	vimm.s32 $0xB;
	v13 =	vimm.s32 $0xC;
	s16 =	smax.u32 s16, $0x1;
	s12 =	sadd.s32 s15, s28;
	s13 =	sadd.s32 s15, s13  }
0x14: {  	v14 =	vimm.s32 $0xD;
	v15 =	vimm.s32 $0xE;
	v16 =	vimm.s32 $0xF;
	s14 =	sadd.s32 s15, s14;
	s15 =	sadd.s32 $0x13800, s17;
	s17 =	simm.s32 $0xFE60  }
.LBB2_1:
0x15: {  	s23 =	simm.s32 $0x100;
	s22 =	simm.s32 $0x0  }
.LBB2_2:
0x16: {  	p1 =	sne.s32 s23, $0xCF00;
	[tilespmem:s22+$0xFE90] =	vst v0;
	s24 =	smov.u32 s23;
	s23 =	sadd.s32 $0x100, s23  }
.Ltmp0:
0x17: {  	[tilespmem:s22+$0xFE80] =	vst v0;
	(pc) =	sbr.rel @p1 .LBB2_2-.Ltmp0, $3  }
0x18: {  	[tilespmem:s22+$0xFE60] =	vst v0  }
0x19: {  	[tilespmem:s22+$0xFE70] =	vst v0;
	_ =	sdelay $0x1  }
0x1a: {  	s22 =	sshra.s32 s24, $0x2  }
0x1b: {  	[tilespmem:s22+$0xFE90] =	vst v0  }
0x1c: {  	[tilespmem:s22+$0xFE80] =	vst v0  }
0x1d: {  	[tilespmem:s22+$0xFE60] =	vst v0  }
0x1e: {  	[tilespmem:s22+$0xFE70] =	vst v0  }
0x1f: {  	[spmem:s4] =	stream.linear.scatter [tilespmem:s17], [sflag:$0x1], $0x3400, $0x38;
	[tilespmem:$0x1CEA0] =	vst v63  }
0x20: {  	_ =	swait.ge [sflag:s18], $0x3400  }
0x21: {  	[sflag:s18] =	ssyncset.done $0x0  }
0x22: {  	[sflag:s18] =	ssyncadd.s32 $0xFFFFCC00  }
0x23: {  	[spmem:s5] =	stream.linear.scatter [tilespmem:s17], [sflag:$0x1], $0x3400, $0x38;
	[tilespmem:$0x1CEA0] =	vst v63  }
0x24: {  	_ =	swait.ge [sflag:s18], $0x3400  }
0x25: {  	[sflag:s18] =	ssyncset.done $0x0  }
0x26: {  	[sflag:s18] =	ssyncadd.s32 $0xFFFFCC00  }
0x27: {  	[spmem:s6] =	stream.linear.scatter [tilespmem:s17], [sflag:$0x1], $0x3400, $0x38;
	[tilespmem:$0x1CEA0] =	vst v63  }
0x28: {  	_ =	swait.ge [sflag:s18], $0x3400  }
0x29: {  	[sflag:s18] =	ssyncset.done $0x0  }
0x2a: {  	s22 =	simm.s32 @!p0 $0xFE60;
	[sflag:s18] =	ssyncadd.s32 $0xFFFFCC00  }
0x2b: {  	[spmem:s7] =	stream.linear.scatter @!p0 [tilespmem:s22], [sflag:$0x1], $0x400, $0x38;
	[tilespmem:$0x1CEA0] =	vst v63  }
0x2c: {  	s22 =	simm.s32 @!p0 $0x1  }
0x2d: {  	_ =	swait.ge @!p0 [sflag:s22], $0x400  }
0x2e: {  	[sflag:s22] =	ssyncset.done @!p0 $0x0  }
0x2f: {  	[sflag:s22] =	ssyncadd.s32 @!p0 $0xFFFFFC00  }
0x30: {  	s22 =	simm.s32 $0x0;
	[bflag:$0x0] =	sbarrier.arrive $0xFFFF  }
0x31: {  	[tilespmem:s22], [sflag:$0x1] =	stream.linear.gather [hbm4b:s8+s22], $0x4E20, $0x38;
	[tilespmem:$0x1CEA0] =	vst v63  }
0x32: {  	_ =	swait.ge [sflag:s18], $0x4E20  }
0x33: {  	[sflag:s18] =	ssyncset.done $0x0  }
0x34: {  	[sflag:s18] =	ssyncadd.s32 $0xFFFFB1E0  }
0x35: {  	[tilespmem:s19], [sflag:$0x1] =	stream.linear.gather [hbm4b:s9+s22], $0x4E20, $0x38;
	[tilespmem:$0x1CEA0] =	vst v63  }
0x36: {  	_ =	swait.ge [sflag:s18], $0x4E20  }
0x37: {  	[sflag:s18] =	ssyncset.done $0x0  }
0x38: {  	s23 =	simm.s32 $0x9C40;
	[sflag:s18] =	ssyncadd.s32 $0xFFFFB1E0  }
0x39: {  	[tilespmem:s23], [sflag:$0x1] =	stream.linear.gather [hbm4b:s10+s22], $0x4E20, $0x38;
	[tilespmem:$0x1CEA0] =	vst v63  }
0x3a: {  	_ =	swait.ge [sflag:s18], $0x4E20  }
0x3b: {  	[sflag:s18] =	ssyncset.done $0x0  }
0x3c: {  	[sflag:s18] =	ssyncadd.s32 $0xFFFFB1E0  }
.LBB2_4:
0x3d: {  	s24 =	smul.u32 $0x50, s22;
	_ =	sdelay $0x1  }
0x3e: {  	s25 =	sadd.s32 $0x4E20, s24  }
0x3f: {  	v17 =	vmov s23;
	[tilespmem:s21], [sflag:$0x1] =	stream.indirect.gather [hbm4b:s11+s20], $0x40, s25, s20, $0xb8;
	[tilespmem:$0x1CEA0] =	vst v63  }
0x40: {  	_ =	swait.ge [sflag:s18], $0x1400  }
0x41: {  	[sflag:s18] =	ssyncset.done $0x0  }
0x42: {  	s26 =	simm.s32 $0x0;
	s25 =	simm.s32 $0xEC60;
	[sflag:s18] =	ssyncadd.s32 $0xFFFFEC00  }
.LBB2_5:
0x43: {  	s28 =	sshra.s32 s26, $0x2  }
0x44: {  	v18 =	vld.idx.msk [tilespmem:v17+s28+$0x0 ss:$0x1], $0xffff;
	_ =	sdelay $0x1  }
0x45: {  	v19 =	vld [tilespmem:s25+$0xFFFFFE00];
	_ =	sdelay $0x2  }
0x46: {  	v20 =	vperm.xlane v18, v1;
	_ =	sdelay $0x1  }
0x47: {  	v19 =	vmul.f32 v19, v20;
	_ =	sdelay $0x1  }
0x48: {  	[tilespmem:s25+$0xFFFFFE00] =	vst v19;
	v19 =	vld [tilespmem:s25+$0xFFFFFE10];
	_ =	sdelay $0x4  }
0x49: {  	v19 =	vmul.f32 v19, v20;
	_ =	sdelay $0x1  }
0x4a: {  	[tilespmem:s25+$0xFFFFFE10] =	vst v19;
	v19 =	vld [tilespmem:s25+$0xFFFFFE20];
	_ =	sdelay $0x4  }
0x4b: {  	v19 =	vmul.f32 v19, v20;
	_ =	sdelay $0x1  }
0x4c: {  	[tilespmem:s25+$0xFFFFFE20] =	vst v19;
	v19 =	vld [tilespmem:s25+$0xFFFFFE30];
	_ =	sdelay $0x4  }
0x4d: {  	v19 =	vmul.f32 v19, v20;
	_ =	sdelay $0x1  }
0x4e: {  	[tilespmem:s25+$0xFFFFFE30] =	vst v19;
	v19 =	vld [tilespmem:s25+$0xFFFFFE40];
	_ =	sdelay $0x2  }
0x4f: {  	v50 =	vperm.xlane v18, v2;
	_ =	sdelay $0x1  }
0x50: {  	v19 =	vmul.f32 v19, v50;
	_ =	sdelay $0x1  }
0x51: {  	[tilespmem:s25+$0xFFFFFE40] =	vst v19;
	v19 =	vld [tilespmem:s25+$0xFFFFFE50];
	_ =	sdelay $0x4  }
0x52: {  	v19 =	vmul.f32 v19, v50;
	_ =	sdelay $0x1  }
0x53: {  	[tilespmem:s25+$0xFFFFFE50] =	vst v19;
	v19 =	vld [tilespmem:s25+$0xFFFFFE60];
	_ =	sdelay $0x4  }
0x54: {  	v19 =	vmul.f32 v19, v50;
	_ =	sdelay $0x1  }
0x55: {  	[tilespmem:s25+$0xFFFFFE60] =	vst v19;
	v19 =	vld [tilespmem:s25+$0xFFFFFE70];
	_ =	sdelay $0x4  }
0x56: {  	v19 =	vmul.f32 v19, v50;
	_ =	sdelay $0x1  }
0x57: {  	[tilespmem:s25+$0xFFFFFE70] =	vst v19;
	v19 =	vld [tilespmem:s25+$0xFFFFFE80];
	_ =	sdelay $0x2  }
0x58: {  	v51 =	vperm.xlane v18, v3;
	_ =	sdelay $0x1  }
0x59: {  	v19 =	vmul.f32 v19, v51;
	_ =	sdelay $0x1  }
0x5a: {  	[tilespmem:s25+$0xFFFFFE80] =	vst v19;
	v19 =	vld [tilespmem:s25+$0xFFFFFE90];
	_ =	sdelay $0x4  }
0x5b: {  	v19 =	vmul.f32 v19, v51;
	_ =	sdelay $0x1  }
0x5c: {  	[tilespmem:s25+$0xFFFFFE90] =	vst v19;
	v19 =	vld [tilespmem:s25+$0xFFFFFEA0];
	_ =	sdelay $0x4  }
0x5d: {  	v19 =	vmul.f32 v19, v51;
	_ =	sdelay $0x1  }
0x5e: {  	[tilespmem:s25+$0xFFFFFEA0] =	vst v19;
	v19 =	vld [tilespmem:s25+$0xFFFFFEB0];
	_ =	sdelay $0x4  }
0x5f: {  	v19 =	vmul.f32 v19, v51;
	_ =	sdelay $0x1  }
0x60: {  	[tilespmem:s25+$0xFFFFFEB0] =	vst v19;
	v19 =	vld [tilespmem:s25+$0xFFFFFEC0];
	_ =	sdelay $0x2  }
0x61: {  	v52 =	vperm.xlane v18, v4;
	_ =	sdelay $0x1  }
0x62: {  	v19 =	vmul.f32 v19, v52;
	_ =	sdelay $0x1  }
0x63: {  	[tilespmem:s25+$0xFFFFFEC0] =	vst v19;
	v19 =	vld [tilespmem:s25+$0xFFFFFED0];
	_ =	sdelay $0x4  }
0x64: {  	v19 =	vmul.f32 v19, v52;
	_ =	sdelay $0x1  }
0x65: {  	[tilespmem:s25+$0xFFFFFED0] =	vst v19;
	v19 =	vld [tilespmem:s25+$0xFFFFFEE0];
	_ =	sdelay $0x4  }
0x66: {  	v19 =	vmul.f32 v19, v52;
	_ =	sdelay $0x1  }
0x67: {  	[tilespmem:s25+$0xFFFFFEE0] =	vst v19;
	v19 =	vld [tilespmem:s25+$0xFFFFFEF0];
	_ =	sdelay $0x4  }
0x68: {  	v19 =	vmul.f32 v19, v52;
	_ =	sdelay $0x1  }
0x69: {  	[tilespmem:s25+$0xFFFFFEF0] =	vst v19;
	v19 =	vld [tilespmem:s25+$0xFFFFFF00];
	_ =	sdelay $0x2  }
0x6a: {  	v53 =	vperm.xlane v18, v5;
	_ =	sdelay $0x1  }
0x6b: {  	v19 =	vmul.f32 v19, v53;
	_ =	sdelay $0x1  }
0x6c: {  	[tilespmem:s25+$0xFFFFFF00] =	vst v19;
	v19 =	vld [tilespmem:s25+$0xFFFFFF10];
	_ =	sdelay $0x4  }
0x6d: {  	v19 =	vmul.f32 v19, v53;
	_ =	sdelay $0x1  }
0x6e: {  	[tilespmem:s25+$0xFFFFFF10] =	vst v19;
	v19 =	vld [tilespmem:s25+$0xFFFFFF20];
	_ =	sdelay $0x4  }
0x6f: {  	v19 =	vmul.f32 v19, v53;
	_ =	sdelay $0x1  }
0x70: {  	[tilespmem:s25+$0xFFFFFF20] =	vst v19;
	v19 =	vld [tilespmem:s25+$0xFFFFFF30];
	_ =	sdelay $0x4  }
0x71: {  	v19 =	vmul.f32 v19, v53;
	_ =	sdelay $0x1  }
0x72: {  	[tilespmem:s25+$0xFFFFFF30] =	vst v19;
	v19 =	vld [tilespmem:s25+$0xFFFFFF40];
	_ =	sdelay $0x2  }
0x73: {  	v54 =	vperm.xlane v18, v6;
	_ =	sdelay $0x1  }
0x74: {  	v19 =	vmul.f32 v19, v54;
	_ =	sdelay $0x1  }
0x75: {  	[tilespmem:s25+$0xFFFFFF40] =	vst v19;
	v19 =	vld [tilespmem:s25+$0xFFFFFF50];
	_ =	sdelay $0x4  }
0x76: {  	v19 =	vmul.f32 v19, v54;
	_ =	sdelay $0x1  }
0x77: {  	[tilespmem:s25+$0xFFFFFF50] =	vst v19;
	v19 =	vld [tilespmem:s25+$0xFFFFFF60];
	_ =	sdelay $0x4  }
0x78: {  	v19 =	vmul.f32 v19, v54;
	_ =	sdelay $0x1  }
0x79: {  	[tilespmem:s25+$0xFFFFFF60] =	vst v19;
	v19 =	vld [tilespmem:s25+$0xFFFFFF70];
	_ =	sdelay $0x4  }
0x7a: {  	v19 =	vmul.f32 v19, v54;
	_ =	sdelay $0x1  }
0x7b: {  	[tilespmem:s25+$0xFFFFFF70] =	vst v19;
	v19 =	vld [tilespmem:s25+$0xFFFFFF80];
	_ =	sdelay $0x2  }
0x7c: {  	v55 =	vperm.xlane v18, v7;
	_ =	sdelay $0x1  }
0x7d: {  	v19 =	vmul.f32 v19, v55;
	_ =	sdelay $0x1  }
0x7e: {  	[tilespmem:s25+$0xFFFFFF80] =	vst v19;
	v19 =	vld [tilespmem:s25+$0xFFFFFF90];
	_ =	sdelay $0x4  }
0x7f: {  	v19 =	vmul.f32 v19, v55;
	_ =	sdelay $0x1  }
0x80: {  	[tilespmem:s25+$0xFFFFFF90] =	vst v19;
	v19 =	vld [tilespmem:s25+$0xFFFFFFA0];
	_ =	sdelay $0x4  }
0x81: {  	v19 =	vmul.f32 v19, v55;
	_ =	sdelay $0x1  }
0x82: {  	[tilespmem:s25+$0xFFFFFFA0] =	vst v19;
	v19 =	vld [tilespmem:s25+$0xFFFFFFB0];
	_ =	sdelay $0x4  }
0x83: {  	v19 =	vmul.f32 v19, v55;
	_ =	sdelay $0x1  }
0x84: {  	[tilespmem:s25+$0xFFFFFFB0] =	vst v19;
	v19 =	vld [tilespmem:s25+$0xFFFFFFC0];
	_ =	sdelay $0x2  }
0x85: {  	v56 =	vperm.xlane v18, v8;
	_ =	sdelay $0x1  }
0x86: {  	v19 =	vmul.f32 v19, v56;
	_ =	sdelay $0x1  }
0x87: {  	[tilespmem:s25+$0xFFFFFFC0] =	vst v19;
	v19 =	vld [tilespmem:s25+$0xFFFFFFD0];
	_ =	sdelay $0x4  }
0x88: {  	v19 =	vmul.f32 v19, v56;
	_ =	sdelay $0x1  }
0x89: {  	[tilespmem:s25+$0xFFFFFFD0] =	vst v19;
	v19 =	vld [tilespmem:s25+$0xFFFFFFE0];
	_ =	sdelay $0x4  }
0x8a: {  	v19 =	vmul.f32 v19, v56;
	_ =	sdelay $0x1  }
0x8b: {  	[tilespmem:s25+$0xFFFFFFE0] =	vst v19;
	v19 =	vld [tilespmem:s25+$0xFFFFFFF0];
	_ =	sdelay $0x4  }
0x8c: {  	v19 =	vmul.f32 v19, v56;
	_ =	sdelay $0x1  }
0x8d: {  	[tilespmem:s25+$0xFFFFFFF0] =	vst v19;
	v19 =	vld [tilespmem:s25+$0x0];
	_ =	sdelay $0x2  }
0x8e: {  	v57 =	vperm.xlane v18, v9;
	_ =	sdelay $0x1  }
0x8f: {  	v19 =	vmul.f32 v19, v57;
	_ =	sdelay $0x1  }
0x90: {  	[tilespmem:s25+$0x0] =	vst v19;
	v19 =	vld [tilespmem:s25+$0x10];
	_ =	sdelay $0x4  }
0x91: {  	v19 =	vmul.f32 v19, v57;
	_ =	sdelay $0x1  }
0x92: {  	[tilespmem:s25+$0x10] =	vst v19;
	v19 =	vld [tilespmem:s25+$0x20];
	_ =	sdelay $0x4  }
0x93: {  	v19 =	vmul.f32 v19, v57;
	_ =	sdelay $0x1  }
0x94: {  	[tilespmem:s25+$0x20] =	vst v19;
	v19 =	vld [tilespmem:s25+$0x30];
	_ =	sdelay $0x4  }
0x95: {  	v19 =	vmul.f32 v19, v57;
	_ =	sdelay $0x1  }
0x96: {  	[tilespmem:s25+$0x30] =	vst v19;
	v19 =	vld [tilespmem:s25+$0x40];
	_ =	sdelay $0x2  }
0x97: {  	v58 =	vperm.xlane v18, v10;
	_ =	sdelay $0x1  }
0x98: {  	v19 =	vmul.f32 v19, v58;
	_ =	sdelay $0x1  }
0x99: {  	[tilespmem:s25+$0x40] =	vst v19;
	v19 =	vld [tilespmem:s25+$0x50];
	_ =	sdelay $0x4  }
0x9a: {  	v19 =	vmul.f32 v19, v58;
	_ =	sdelay $0x1  }
0x9b: {  	[tilespmem:s25+$0x50] =	vst v19;
	v19 =	vld [tilespmem:s25+$0x60];
	_ =	sdelay $0x4  }
0x9c: {  	v19 =	vmul.f32 v19, v58;
	_ =	sdelay $0x1  }
0x9d: {  	[tilespmem:s25+$0x60] =	vst v19;
	v19 =	vld [tilespmem:s25+$0x70];
	_ =	sdelay $0x4  }
0x9e: {  	v19 =	vmul.f32 v19, v58;
	_ =	sdelay $0x1  }
0x9f: {  	[tilespmem:s25+$0x70] =	vst v19;
	v19 =	vld [tilespmem:s25+$0x80];
	_ =	sdelay $0x2  }
0xa0: {  	v59 =	vperm.xlane v18, v11;
	_ =	sdelay $0x1  }
0xa1: {  	v19 =	vmul.f32 v19, v59;
	_ =	sdelay $0x1  }
0xa2: {  	[tilespmem:s25+$0x80] =	vst v19;
	v19 =	vld [tilespmem:s25+$0x90];
	_ =	sdelay $0x4  }
0xa3: {  	v19 =	vmul.f32 v19, v59;
	_ =	sdelay $0x1  }
0xa4: {  	[tilespmem:s25+$0x90] =	vst v19;
	v19 =	vld [tilespmem:s25+$0xA0];
	_ =	sdelay $0x4  }
0xa5: {  	v19 =	vmul.f32 v19, v59;
	_ =	sdelay $0x1  }
0xa6: {  	[tilespmem:s25+$0xA0] =	vst v19;
	v19 =	vld [tilespmem:s25+$0xB0];
	_ =	sdelay $0x4  }
0xa7: {  	v19 =	vmul.f32 v19, v59;
	_ =	sdelay $0x1  }
0xa8: {  	[tilespmem:s25+$0xB0] =	vst v19;
	v19 =	vld [tilespmem:s25+$0xC0];
	_ =	sdelay $0x2  }
0xa9: {  	v60 =	vperm.xlane v18, v12;
	_ =	sdelay $0x1  }
0xaa: {  	v19 =	vmul.f32 v19, v60;
	_ =	sdelay $0x1  }
0xab: {  	[tilespmem:s25+$0xC0] =	vst v19;
	v19 =	vld [tilespmem:s25+$0xD0];
	_ =	sdelay $0x4  }
0xac: {  	v19 =	vmul.f32 v19, v60;
	_ =	sdelay $0x1  }
0xad: {  	[tilespmem:s25+$0xD0] =	vst v19;
	v19 =	vld [tilespmem:s25+$0xE0];
	_ =	sdelay $0x4  }
0xae: {  	v19 =	vmul.f32 v19, v60;
	_ =	sdelay $0x1  }
0xaf: {  	[tilespmem:s25+$0xE0] =	vst v19;
	v19 =	vld [tilespmem:s25+$0xF0];
	_ =	sdelay $0x4  }
0xb0: {  	v19 =	vmul.f32 v19, v60;
	_ =	sdelay $0x1  }
0xb1: {  	[tilespmem:s25+$0xF0] =	vst v19;
	v19 =	vld [tilespmem:s25+$0x100];
	_ =	sdelay $0x2  }
0xb2: {  	v61 =	vperm.xlane v18, v13;
	_ =	sdelay $0x1  }
0xb3: {  	v19 =	vmul.f32 v19, v61;
	_ =	sdelay $0x1  }
0xb4: {  	[tilespmem:s25+$0x100] =	vst v19;
	v19 =	vld [tilespmem:s25+$0x110];
	_ =	sdelay $0x4  }
0xb5: {  	v19 =	vmul.f32 v19, v61;
	_ =	sdelay $0x1  }
0xb6: {  	[tilespmem:s25+$0x110] =	vst v19;
	v19 =	vld [tilespmem:s25+$0x120];
	_ =	sdelay $0x4  }
0xb7: {  	v19 =	vmul.f32 v19, v61;
	_ =	sdelay $0x1  }
0xb8: {  	[tilespmem:s25+$0x120] =	vst v19;
	v19 =	vld [tilespmem:s25+$0x130];
	_ =	sdelay $0x4  }
0xb9: {  	v19 =	vmul.f32 v19, v61;
	_ =	sdelay $0x1  }
0xba: {  	[tilespmem:s25+$0x130] =	vst v19;
	v19 =	vld [tilespmem:s25+$0x140];
	_ =	sdelay $0x2  }
0xbb: {  	v62 =	vperm.xlane v18, v14;
	_ =	sdelay $0x1  }
0xbc: {  	v19 =	vmul.f32 v19, v62;
	_ =	sdelay $0x1  }
0xbd: {  	[tilespmem:s25+$0x140] =	vst v19;
	v19 =	vld [tilespmem:s25+$0x150];
	_ =	sdelay $0x4  }
0xbe: {  	v19 =	vmul.f32 v19, v62;
	_ =	sdelay $0x1  }
0xbf: {  	[tilespmem:s25+$0x150] =	vst v19;
	v19 =	vld [tilespmem:s25+$0x160];
	_ =	sdelay $0x4  }
0xc0: {  	v19 =	vmul.f32 v19, v62;
	_ =	sdelay $0x1  }
0xc1: {  	[tilespmem:s25+$0x160] =	vst v19;
	v19 =	vld [tilespmem:s25+$0x170];
	_ =	sdelay $0x4  }
0xc2: {  	v19 =	vmul.f32 v19, v62;
	_ =	sdelay $0x1  }
0xc3: {  	[tilespmem:s25+$0x170] =	vst v19;
	v19 =	vld [tilespmem:s25+$0x180];
	_ =	sdelay $0x2  }
0xc4: {  	v63 =	vperm.xlane v18, v15;
	_ =	sdelay $0x1  }
0xc5: {  	v19 =	vmul.f32 v19, v63;
	_ =	sdelay $0x1  }
0xc6: {  	[tilespmem:s25+$0x180] =	vst v19;
	v19 =	vld [tilespmem:s25+$0x190];
	_ =	sdelay $0x4  }
0xc7: {  	v19 =	vmul.f32 v19, v63;
	_ =	sdelay $0x1  }
0xc8: {  	[tilespmem:s25+$0x190] =	vst v19;
	v19 =	vld [tilespmem:s25+$0x1A0];
	_ =	sdelay $0x4  }
0xc9: {  	v19 =	vmul.f32 v19, v63;
	_ =	sdelay $0x1  }
0xca: {  	[tilespmem:s25+$0x1A0] =	vst v19;
	v19 =	vld [tilespmem:s25+$0x1B0];
	_ =	sdelay $0x4  }
0xcb: {  	v19 =	vmul.f32 v19, v63;
	_ =	sdelay $0x1  }
0xcc: {  	[tilespmem:s25+$0x1B0] =	vst v19;
	v19 =	vld [tilespmem:s25+$0x1C0];
	_ =	sdelay $0x2  }
0xcd: {  	v18 =	vperm.xlane v18, v16;
	_ =	sdelay $0x1  }
0xce: {  	v19 =	vmul.f32 v19, v18;
	_ =	sdelay $0x1  }
0xcf: {  	[tilespmem:s25+$0x1C0] =	vst v19;
	v19 =	vld [tilespmem:s25+$0x1D0];
	_ =	sdelay $0x4  }
0xd0: {  	v19 =	vmul.f32 v19, v18;
	_ =	sdelay $0x1  }
0xd1: {  	[tilespmem:s25+$0x1D0] =	vst v19;
	v19 =	vld [tilespmem:s25+$0x1E0];
	_ =	sdelay $0x4  }
0xd2: {  	v19 =	vmul.f32 v19, v18;
	_ =	sdelay $0x1  }
0xd3: {  	[tilespmem:s25+$0x1E0] =	vst v19;
	v19 =	vld [tilespmem:s25+$0x1F0];
	_ =	sdelay $0x1  }
0xd4: {  	p1 =	sne.s32 s26, $0x100  }
.Ltmp1:
0xd5: {  	_ = 	snop;
	(pc) =	sbr.rel @p1 .LBB2_5-.Ltmp1, $3  }
0xd6: {  	_ = 	snop  }
0xd7: {  	v18 =	vmul.f32 v19, v18;
	_ =	sdelay $0x1  }
0xd8: {  	s26 =	sadd.s32 $0x40, s26;
	[tilespmem:s25+$0x1F0] =	vst v18;
	s25 =	sadd.s32 $0x400, s25  }
0xd9: {  	s22 =	sadd.s32 $0x1, s22  }
0xda: {  	p1 =	sne.s32 s22, $0xFA  }
.Ltmp2:
0xdb: {  	_ = 	snop;
	(pc) =	sbr.rel @p1 .LBB2_4-.Ltmp2, $4  }
0xdc: {  	[spmem:s2] =	stream.indirect.scatter.add.f32 [tilespmem:s21], [sflag:$0x1], $0x40, s24, s20, $0xb8;
	[tilespmem:$0x1CEA0] =	vst v63  }
0xdd: {  	_ =	swait.ge [sflag:s18], $0x1400  }
0xde: {  	[sflag:s18] =	ssyncset.done $0x0  }
0xdf: {  	s23 =	sadd.s32 $0x50, s23;
	[sflag:s18] =	ssyncadd.s32 $0xFFFFEC00  }
0xe0: {  	s22 =	sshll.u32 s1, $0x6  }
0xe1: {  	[bflag:$0x0] =	sbarrier.arrive $0xFFFF;
	s23 =	sshrl.u32 s4, $0x3;
	s22 =	sor.u32 $0x1C01, s22  }
0xe2: {  	[hbm:s12], [sflag:s22] =	dma.local [spmem:s23], $0x680  }
0xe3: {  	_ =	swait.ge [sflag:s18], $0x680  }
0xe4: {  	[sflag:s18] =	ssyncset.done $0x0  }
0xe5: {  	s30 =	sshrl.u32 s5, $0x3;
	[sflag:s18] =	ssyncadd.s32 $0xFFFFF980  }
0xe6: {  	[hbm:s13], [sflag:s22] =	dma.local [spmem:s30], $0x680  }
0xe7: {  	_ =	swait.ge [sflag:s18], $0x680  }
0xe8: {  	[sflag:s18] =	ssyncset.done $0x0  }
0xe9: {  	s31 =	sshrl.u32 s6, $0x3;
	[sflag:s18] =	ssyncadd.s32 $0xFFFFF980  }
0xea: {  	[hbm:s14], [sflag:s22] =	dma.local [spmem:s31], $0x680  }
0xeb: {  	_ =	swait.ge [sflag:s18], $0x680  }
0xec: {  	s3 =	sadd.s32 $0x1, s3;
	[sflag:s18] =	ssyncset.done $0x0  }
0xed: {  	p1 =	sne.s32 s3, s16;
	s23 =	sshrl.u32 @!p0 s7, $0x3;
	[sflag:s18] =	ssyncadd.s32 $0xFFFFF980  }
0xee: {  	[hbm:s15], [sflag:s22] =	dma.local @!p0 [spmem:s23], $0x80  }
.Ltmp3:
0xef: {  	_ = 	snop;
	(pc) =	sbr.rel @p1 .LBB2_1-.Ltmp3, $4  }
0xf0: {  	s22 =	simm.s32 @!p0 $0x1  }
0xf1: {  	_ =	swait.ge @!p0 [sflag:s22], $0x80  }
0xf2: {  	[sflag:s22] =	ssyncset.done @!p0 $0x0  }
0xf3: {  	[sflag:s22] =	ssyncadd.s32 @!p0 $0xFFFFFF80  }
0xf4: {  	_ =	sfence.sel $0x180000  }
0xf5: {  	[bflag:$0x0] =	sbarrier.arrive $0xFFFF  }
0xf6: {  	p0 =	sne.s32 s1, $0x0;
	_ =	strace $0x90000047  }
0xf7: {  	s0 =	sadd.s32 @!p0 $0x100000, s0;
	[bflag:$0x2] =	sbarrier.arrive $0xFFFF  }
0xf8: {  	[sflag:s0] =	ssyncadd.tile.s32 @!p0 $0x1;
	_ =	shalt  }
.Lfunc_end2:
_tile_overlayer_lowered:
.L_overlay_start_2:
0xf9: {  	(tag) =	ssettag $0x2  }
0xfa: {  	s0 =	rddreg [dreg:$0x0];
	s2 =	stileid.u32  }
0xfb: {  	s1 =	rddreg [dreg:$0x1];
	p0 =	sne.s32 s2, $0x0  }
0xfc: {  	s3 =	rddreg [dreg:$0x2];
	[bflag:$0x3] =	sbarrier.arrive $0xFFFF;
	s2 =	simm.s32 @!p0 $0x1C01  }
0xfd: {  	[timem:s3], [sflag:s2] =	dma.local @!p0 [hbm:s0], s1  }
0xfe: {  	s0 =	simm.s32 @!p0 $0x1  }
0xff: {  	_ =	swait.ge @!p0 [sflag:s0], s1  }
0x100: {  	s1 =	ssub.s32 @!p0 $0x0, s1;
	[sflag:s0] =	ssyncset.done @!p0 $0x0  }
0x101: {  	[sflag:s0] =	ssyncadd.s32 @!p0 s1  }
0x102: {  	[bflag:$0x3] =	sbarrier.arrive $0xFFFF  }
0x103: {  	_ =	shalt  }

</sc_bundles>
